<compile_context>
chip_gen: v7x
topology: tpu7x:2x2x1
jax: 0.10.2.dev20260603
libtpu: 0.0.44.dev20260713+nightly
codegen_flags: <defaults>
</compile_context>

<pallas_src>
import functools

import jax
import jax.numpy as jnp
from jax import lax
from jax.experimental import pallas as pl
from jax.experimental.pallas import tpu as pltpu
from jax.experimental.pallas import tpu_sc as plsc

_TP = 2
_NG = 2
_NS = 2


@functools.lru_cache(maxsize=None)
def _build(hist, batch, dim):
    info = plsc.get_sparse_core_info()
    nc, ns, nl = info.num_cores, info.num_subcores, info.num_lanes
    nw = nc * ns
    nstep = hist // _TP
    assert batch == nw * 128 and dim % 8 == 0 and nstep % _NG == 0
    nblk = batch // 128
    ndg = dim // 8

    mesh = plsc.VectorSubcoreMesh(core_axis_name="c", subcore_axis_name="s")

    @functools.partial(
        pl.kernel,
        out_type=jax.ShapeDtypeStruct((hist, ndg, nblk, 8, 128), jnp.float32),
        mesh=mesh,
        scratch_types=[
            pltpu.VMEM((hist, 128), jnp.int32),
            pltpu.VMEM((_NG, _TP, 128, dim), jnp.float32),
            pltpu.VMEM((_NS, _TP, ndg, 8, 129), jnp.float32),
            [pltpu.SemaphoreType.DMA] * _NG,
            [pltpu.SemaphoreType.DMA] * _NS,
        ],
        compiler_params=pltpu.CompilerParams(
            use_tc_tiling_on_sc=False, needs_layout_passes=False),
    )
    def gather_kernel(idxt_hbm, table_hbm, out_hbm, idx_v, rows_v, tbuf_v,
                      gsem, ssem):
        w = lax.axis_index("s") * nc + lax.axis_index("c")
        pltpu.sync_copy(idxt_hbm.at[:, pl.ds(w * 128, 128)], idx_v)

        lane = lax.iota(jnp.int32, nl)
        ridx = [lane + j * nl for j in range(128 // nl)]

        def start_gather(m, g):
            for tt in range(_TP):
                pltpu.async_copy(table_hbm.at[idx_v.at[m * _TP + tt]],
                                 rows_v.at[g, tt], gsem[g])

        def wait_gather(g):
            for tt in range(_TP):
                pltpu.make_async_copy(
                    table_hbm.at[idx_v.at[0]], rows_v.at[g, tt],
                    gsem[g]).wait()

        def start_store(m, s):
            pltpu.async_copy(tbuf_v.at[s, :, :, :, pl.ds(0, 128)],
                             out_hbm.at[pl.ds(m * _TP, _TP), :, w], ssem[s])

        def wait_store(s):
            pltpu.make_async_copy(
                tbuf_v.at[s, :, :, :, pl.ds(0, 128)],
                out_hbm.at[pl.ds(0, _TP), :, w], ssem[s]).wait()

        dgi = [(lane + k * nl) >> 3 for k in range(dim // nl)]
        dsi = [(lane + k * nl) & 7 for k in range(dim // nl)]
        tsel = [jnp.broadcast_to(jnp.int32(tt), (nl,)) for tt in range(_TP)]

        def transpose(g, s):
            tbuf = tbuf_v.at[s]

            @plsc.parallel_loop(0, 128, unroll=2)
            def trans_r(r):
                bidx = jnp.broadcast_to(r, (nl,))
                for tt in range(_TP):
                    rows = rows_v.at[g, tt]
                    for k in range(dim // nl):
                        v = rows[r, pl.ds(k * nl, nl)]
                        plsc.store_scatter(
                            tbuf, [tsel[tt], dgi[k], dsi[k], bidx], v)

        for g in range(_NG - 1):
            start_gather(g, g)

        def body(u, carry):
            m0 = u * _NG
            for r in range(_NG):
                m = m0 + r
                g, s = r % _NG, r % _NS
                wait_gather(g)

                @pl.when(m + (_NG - 1) < nstep)
                def _():
                    start_gather(m + (_NG - 1), (g + _NG - 1) % _NG)

                @pl.when(m >= _NS)
                def _():
                    wait_store(s)

                transpose(g, s)
                start_store(m, s)
            return carry

        lax.fori_loop(0, nstep // _NG, body, 0)
        for s in range(_NS):
            wait_store(s)

    return gather_kernel


def kernel(indices, table):
    batch, hist = indices.shape
    dim = table.shape[1]
    idx_t = indices.T.astype(jnp.int32)
    tmp = _build(hist, batch, dim)(idx_t, table)
    return tmp.transpose(2, 4, 0, 1, 3).reshape(batch, hist, dim)

# --- scband reference (transcript-rebuilt; emitter-appended) ---
"""Pipeline reference for scband-sequence-embedding-11338713662174 (READ-ONLY COPY).

The authoritative reference and input builder live on the scoring server;
editing this copy changes nothing except your own understanding.
"""

import jax, jax.numpy as jnp
import numpy as np

CARDINALITY = 1000000
PADDING_IDX = 1000000  # == cardinality; table has cardinality + 1 rows
EMBED_DIM = 64
BATCH = 4096
HIST_LEN = 200


def setup_inputs(seed: int = 0) -> dict:
    key = jax.random.key(seed)
    k_idx, k_tab = jax.random.split(key)
    # item indices for each event in each user's history sequence
    indices = jax.random.randint(k_idx, (BATCH, HIST_LEN), 0, CARDINALITY)
    # embedding table: cardinality + 1 rows (extra row for padding)
    table = jax.random.normal(k_tab, (CARDINALITY + 1, EMBED_DIM), dtype=jnp.float32) * 0.02
    table = table.at[PADDING_IDX].set(0.0)
    return {"indices": indices, "table": table}


def reference(indices, table):
    # Faithful translation of SequenceEmbedding -> CategoricalEmbedding (non-list)
    # which is torch.nn.Embedding(cardinality + 1, embedding_dim, padding_idx=padding_value).
    # padding row is forced to zero (torch.nn.Embedding padding_idx semantics)
    row_mask = (jnp.arange(table.shape[0]) != PADDING_IDX).astype(table.dtype)[:, None]
    masked_table = table * row_mask
    # embedding lookup: gather rows of the table
    emb = jnp.take(masked_table, indices, axis=0)  # [BATCH, HIST_LEN, EMBED_DIM]
    return emb

if __name__ == "__main__":
    import jax
    _d = setup_inputs()
    print(jax.jit(kernel)(*tuple(_d.values())))

</pallas_src>

<mosaic_0001>
#map = affine_map<(d0, d1) -> (0, 0)>
#map1 = affine_map<(d0, d1) -> (0, 0, 0, 0, 0)>
module attributes {stable_mosaic.version = 14 : i64} {
  func.func @gather_kernel(%arg0: i32, %arg1: i32, %arg2: memref<200x4096xi32, #tpu.memory_space<hbm>>, %arg3: memref<1000001x64xf32, #tpu.memory_space<hbm>>, %arg4: memref<200x8x32x8x128xf32, #tpu.memory_space<hbm>>, %arg5: memref<200x128xi32, #tpu.memory_space<vmem>>, %arg6: memref<2x2x128x64xf32, #tpu.memory_space<vmem>>, %arg7: memref<2x2x8x8x129xf32, #tpu.memory_space<vmem>>, %arg8: memref<!tpu.dma_semaphore, #tpu.memory_space<semaphore_mem>>, %arg9: memref<!tpu.dma_semaphore, #tpu.memory_space<semaphore_mem>>, %arg10: memref<!tpu.dma_semaphore, #tpu.memory_space<semaphore_mem>>, %arg11: memref<!tpu.dma_semaphore, #tpu.memory_space<semaphore_mem>>) attributes {dimension_semantics = [#tpu.dimension_semantics<core_parallel>, #tpu.dimension_semantics<subcore_parallel>], iteration_bounds = array<i64: 2, 16>, scalar_prefetch = 0 : i64, scratch_operands = 7 : i64, tpu.core_type = #tpu.core_type<sc_vector_subcore>, window_params = [{transform_indices = #map}, {transform_indices = #map}, {transform_indices = #map1}]} {
    %mul3A = arith.constant 2 : i32
    %mul3A_0 = arith.muli %arg1, %mul3A : i32
    %add3A = arith.addi %mul3A_0, %arg0 : i32
    %mul3A_1 = arith.constant 128 : i32
    %mul3A_2 = arith.muli %add3A, %mul3A_1 : i32
    "tpu.region"() ({
      %run_scoped3A = tpu.sem_alloc : memref<!tpu.dma_semaphore, #tpu.memory_space<semaphore_mem>>
      %dma_start3A_155 = arith.constant 0 : i32
      %dma_start3A_156 = tpu.memref_slice %arg2[%dma_start3A_155, %mul3A_2] : memref<200x4096xi32, #tpu.memory_space<hbm>> -> memref<200x128xi32, #tpu.memory_space<hbm>>
      %dma_start3A_157 = arith.constant 0 : i32
      %dma_start3A_158 = tpu.memref_slice %arg2[%dma_start3A_157, %mul3A_2] : memref<200x4096xi32, #tpu.memory_space<hbm>> -> memref<200x128xi32, #tpu.memory_space<hbm>>
      tpu.enqueue_dma source(%dma_start3A_158 : memref<200x128xi32, #tpu.memory_space<hbm>>) target(%arg5 : memref<200x128xi32, #tpu.memory_space<vmem>>) target_semaphore(%run_scoped3A : memref<!tpu.dma_semaphore, #tpu.memory_space<semaphore_mem>>)
      %dma_wait3A_159 = arith.constant 0 : i32
      %dma_wait3A_160 = tpu.memref_slice %arg2[%dma_wait3A_159, %mul3A_2] : memref<200x4096xi32, #tpu.memory_space<hbm>> -> memref<200x128xi32, #tpu.memory_space<hbm>>
      %dma_wait3A_161 = arith.constant 0 : i32
      %dma_wait3A_162 = tpu.memref_slice %arg2[%dma_wait3A_161, %mul3A_2] : memref<200x4096xi32, #tpu.memory_space<hbm>> -> memref<200x128xi32, #tpu.memory_space<hbm>>
      tpu.wait_dma2 semaphore(%run_scoped3A : memref<!tpu.dma_semaphore, #tpu.memory_space<semaphore_mem>>) src(%dma_wait3A_162 : memref<200x128xi32, #tpu.memory_space<hbm>>) dst(%arg5 : memref<200x128xi32, #tpu.memory_space<vmem>>)
      tpu.yield
    }) : () -> ()
    %iota3A = tpu.iota {dimensions = array<i32: 0>} : vector<16xi32>
    %add3A_3 = arith.constant 0 : i32
    %add3A_4 = vector.broadcast %add3A_3 : i32 to vector<16xi32>
    %add3A_5 = arith.addi %iota3A, %add3A_4 : vector<16xi32>
    %add3A_6 = arith.constant 16 : i32
    %add3A_7 = vector.broadcast %add3A_6 : i32 to vector<16xi32>
    %add3A_8 = arith.addi %iota3A, %add3A_7 : vector<16xi32>
    %add3A_9 = arith.constant 32 : i32
    %add3A_10 = vector.broadcast %add3A_9 : i32 to vector<16xi32>
    %add3A_11 = arith.addi %iota3A, %add3A_10 : vector<16xi32>
    %add3A_12 = arith.constant 48 : i32
    %add3A_13 = vector.broadcast %add3A_12 : i32 to vector<16xi32>
    %add3A_14 = arith.addi %iota3A, %add3A_13 : vector<16xi32>
    %add3A_15 = arith.constant 64 : i32
    %add3A_16 = vector.broadcast %add3A_15 : i32 to vector<16xi32>
    %add3A_17 = arith.addi %iota3A, %add3A_16 : vector<16xi32>
    %add3A_18 = arith.constant 80 : i32
    %add3A_19 = vector.broadcast %add3A_18 : i32 to vector<16xi32>
    %add3A_20 = arith.addi %iota3A, %add3A_19 : vector<16xi32>
    %add3A_21 = arith.constant 96 : i32
    %add3A_22 = vector.broadcast %add3A_21 : i32 to vector<16xi32>
    %add3A_23 = arith.addi %iota3A, %add3A_22 : vector<16xi32>
    %add3A_24 = arith.constant 112 : i32
    %add3A_25 = vector.broadcast %add3A_24 : i32 to vector<16xi32>
    %add3A_26 = arith.addi %iota3A, %add3A_25 : vector<16xi32>
    %add3A_27 = arith.constant 0 : i32
    %add3A_28 = vector.broadcast %add3A_27 : i32 to vector<16xi32>
    %add3A_29 = arith.addi %iota3A, %add3A_28 : vector<16xi32>
    %shift_right_arithmetic3A = arith.constant 3 : i32
    %shift_right_arithmetic3A_30 = vector.broadcast %shift_right_arithmetic3A : i32 to vector<16xi32>
    %shift_right_arithmetic3A_31 = arith.shrsi %add3A_29, %shift_right_arithmetic3A_30 : vector<16xi32>
    %add3A_32 = arith.constant 16 : i32
    %add3A_33 = vector.broadcast %add3A_32 : i32 to vector<16xi32>
    %add3A_34 = arith.addi %iota3A, %add3A_33 : vector<16xi32>
    %shift_right_arithmetic3A_35 = arith.constant 3 : i32
    %shift_right_arithmetic3A_36 = vector.broadcast %shift_right_arithmetic3A_35 : i32 to vector<16xi32>
    %shift_right_arithmetic3A_37 = arith.shrsi %add3A_34, %shift_right_arithmetic3A_36 : vector<16xi32>
    %add3A_38 = arith.constant 32 : i32
    %add3A_39 = vector.broadcast %add3A_38 : i32 to vector<16xi32>
    %add3A_40 = arith.addi %iota3A, %add3A_39 : vector<16xi32>
    %shift_right_arithmetic3A_41 = arith.constant 3 : i32
    %shift_right_arithmetic3A_42 = vector.broadcast %shift_right_arithmetic3A_41 : i32 to vector<16xi32>
    %shift_right_arithmetic3A_43 = arith.shrsi %add3A_40, %shift_right_arithmetic3A_42 : vector<16xi32>
    %add3A_44 = arith.constant 48 : i32
    %add3A_45 = vector.broadcast %add3A_44 : i32 to vector<16xi32>
    %add3A_46 = arith.addi %iota3A, %add3A_45 : vector<16xi32>
    %shift_right_arithmetic3A_47 = arith.constant 3 : i32
    %shift_right_arithmetic3A_48 = vector.broadcast %shift_right_arithmetic3A_47 : i32 to vector<16xi32>
    %shift_right_arithmetic3A_49 = arith.shrsi %add3A_46, %shift_right_arithmetic3A_48 : vector<16xi32>
    %add3A_50 = arith.constant 0 : i32
    %add3A_51 = vector.broadcast %add3A_50 : i32 to vector<16xi32>
    %add3A_52 = arith.addi %iota3A, %add3A_51 : vector<16xi32>
    %and3A = arith.constant 7 : i32
    %and3A_53 = vector.broadcast %and3A : i32 to vector<16xi32>
    %and3A_54 = arith.andi %add3A_52, %and3A_53 : vector<16xi32>
    %add3A_55 = arith.constant 16 : i32
    %add3A_56 = vector.broadcast %add3A_55 : i32 to vector<16xi32>
    %add3A_57 = arith.addi %iota3A, %add3A_56 : vector<16xi32>
    %and3A_58 = arith.constant 7 : i32
    %and3A_59 = vector.broadcast %and3A_58 : i32 to vector<16xi32>
    %and3A_60 = arith.andi %add3A_57, %and3A_59 : vector<16xi32>
    %add3A_61 = arith.constant 32 : i32
    %add3A_62 = vector.broadcast %add3A_61 : i32 to vector<16xi32>
    %add3A_63 = arith.addi %iota3A, %add3A_62 : vector<16xi32>
    %and3A_64 = arith.constant 7 : i32
    %and3A_65 = vector.broadcast %and3A_64 : i32 to vector<16xi32>
    %and3A_66 = arith.andi %add3A_63, %and3A_65 : vector<16xi32>
    %add3A_67 = arith.constant 48 : i32
    %add3A_68 = vector.broadcast %add3A_67 : i32 to vector<16xi32>
    %add3A_69 = arith.addi %iota3A, %add3A_68 : vector<16xi32>
    %and3A_70 = arith.constant 7 : i32
    %and3A_71 = vector.broadcast %and3A_70 : i32 to vector<16xi32>
    %and3A_72 = arith.andi %add3A_69, %and3A_71 : vector<16xi32>
    %broadcast_in_dim3A = arith.constant 0 : i32
    %broadcast_in_dim3A_73 = vector.broadcast %broadcast_in_dim3A : i32 to vector<16xi32>
    %broadcast_in_dim3A_74 = arith.constant 1 : i32
    %broadcast_in_dim3A_75 = vector.broadcast %broadcast_in_dim3A_74 : i32 to vector<16xi32>
    %dma_start3A = arith.constant 0 : i32
    %dma_start3A_76 = arith.constant 0 : i32
    %dma_start3A_77 = arith.constant 0 : i32
    %dma_start3A_78 = arith.constant 0 : i32
    %dma_start3A_79 = arith.constant 0 : i32
    %dma_start3A_80 = tpu.memref_slice %arg6[%dma_start3A_76, %dma_start3A_77, %dma_start3A_78, %dma_start3A_79] : memref<2x2x128x64xf32, #tpu.memory_space<vmem>> -> memref<1x1x128x64xf32, #tpu.memory_space<vmem>>
    %dma_start3A_81 = tpu.memref_squeeze %dma_start3A_80 : memref<1x1x128x64xf32, #tpu.memory_space<vmem>> -> memref<128x64xf32, #tpu.memory_space<vmem>>
    %dma_start3A_82 = arith.constant 0 : i32
    %dma_start3A_83 = tpu.memref_slice %arg5[%dma_start3A, %dma_start3A_82] : memref<200x128xi32, #tpu.memory_space<vmem>> -> memref<1x128xi32, #tpu.memory_space<vmem>>
    %dma_start3A_84 = tpu.memref_squeeze %dma_start3A_83 : memref<1x128xi32, #tpu.memory_space<vmem>> -> memref<128xi32, #tpu.memory_space<vmem>>
    %dma_start3A_85 = arith.constant 0 : i32
    %dma_start3A_86 = arith.constant 0 : i32
    %dma_start3A_87 = tpu.memref_slice %arg3[%dma_start3A_85, %dma_start3A_86] : memref<1000001x64xf32, #tpu.memory_space<hbm>> -> memref<1000001x64xf32, #tpu.memory_space<hbm>>
    tpu.enqueue_indirect_dma source(%dma_start3A_87 : memref<1000001x64xf32, #tpu.memory_space<hbm>>) target(%dma_start3A_81 : memref<128x64xf32, #tpu.memory_space<vmem>>) offsets(%dma_start3A_84 : memref<128xi32, #tpu.memory_space<vmem>>) semaphore(%arg8 : memref<!tpu.dma_semaphore, #tpu.memory_space<semaphore_mem>>)
    %dma_start3A_88 = arith.constant 1 : i32
    %dma_start3A_89 = arith.constant 0 : i32
    %dma_start3A_90 = arith.constant 1 : i32
    %dma_start3A_91 = arith.constant 0 : i32
    %dma_start3A_92 = arith.constant 0 : i32
    %dma_start3A_93 = tpu.memref_slice %arg6[%dma_start3A_89, %dma_start3A_90, %dma_start3A_91, %dma_start3A_92] : memref<2x2x128x64xf32, #tpu.memory_space<vmem>> -> memref<1x1x128x64xf32, #tpu.memory_space<vmem>>
    %dma_start3A_94 = tpu.memref_squeeze %dma_start3A_93 : memref<1x1x128x64xf32, #tpu.memory_space<vmem>> -> memref<128x64xf32, #tpu.memory_space<vmem>>
    %dma_start3A_95 = arith.constant 0 : i32
    %dma_start3A_96 = tpu.memref_slice %arg5[%dma_start3A_88, %dma_start3A_95] : memref<200x128xi32, #tpu.memory_space<vmem>> -> memref<1x128xi32, #tpu.memory_space<vmem>>
    %dma_start3A_97 = tpu.memref_squeeze %dma_start3A_96 : memref<1x128xi32, #tpu.memory_space<vmem>> -> memref<128xi32, #tpu.memory_space<vmem>>
    %dma_start3A_98 = arith.constant 0 : i32
    %dma_start3A_99 = arith.constant 0 : i32
    %dma_start3A_100 = tpu.memref_slice %arg3[%dma_start3A_98, %dma_start3A_99] : memref<1000001x64xf32, #tpu.memory_space<hbm>> -> memref<1000001x64xf32, #tpu.memory_space<hbm>>
    tpu.enqueue_indirect_dma source(%dma_start3A_100 : memref<1000001x64xf32, #tpu.memory_space<hbm>>) target(%dma_start3A_94 : memref<128x64xf32, #tpu.memory_space<vmem>>) offsets(%dma_start3A_97 : memref<128xi32, #tpu.memory_space<vmem>>) semaphore(%arg8 : memref<!tpu.dma_semaphore, #tpu.memory_space<semaphore_mem>>)
    %scan3A = arith.constant 0 : i32
    %scan3A_101 = arith.constant 0 : i32
    %scan3A_102 = arith.constant 50 : i32
    %scan3A_103 = arith.addi %scan3A_101, %scan3A_102 : i32
    %scan3A_104 = arith.constant 1 : i32
    scf.for %scan3A_155 = %scan3A_101 to %scan3A_103 step %scan3A_104  : i32 {
      %mul3A_156 = arith.constant 2 : i32
      %mul3A_157 = arith.muli %scan3A_155, %mul3A_156 : i32
      %add3A_158 = arith.constant 0 : i32
      %add3A_159 = arith.addi %mul3A_157, %add3A_158 : i32
      %dma_wait3A_160 = arith.constant 0 : i32
      %dma_wait3A_161 = arith.constant 0 : i32
      %dma_wait3A_162 = arith.constant 0 : i32
      %dma_wait3A_163 = arith.constant 0 : i32
      %dma_wait3A_164 = arith.constant 0 : i32
      %dma_wait3A_165 = tpu.memref_slice %arg6[%dma_wait3A_161, %dma_wait3A_162, %dma_wait3A_163, %dma_wait3A_164] : memref<2x2x128x64xf32, #tpu.memory_space<vmem>> -> memref<1x1x128x64xf32, #tpu.memory_space<vmem>>
      %dma_wait3A_166 = tpu.memref_squeeze %dma_wait3A_165 : memref<1x1x128x64xf32, #tpu.memory_space<vmem>> -> memref<128x64xf32, #tpu.memory_space<vmem>>
      %dma_wait3A_167 = arith.constant 0 : i32
      %dma_wait3A_168 = tpu.memref_slice %arg5[%dma_wait3A_160, %dma_wait3A_167] : memref<200x128xi32, #tpu.memory_space<vmem>> -> memref<1x128xi32, #tpu.memory_space<vmem>>
      %dma_wait3A_169 = tpu.memref_squeeze %dma_wait3A_168 : memref<1x128xi32, #tpu.memory_space<vmem>> -> memref<128xi32, #tpu.memory_space<vmem>>
      %dma_wait3A_170 = arith.constant 0 : i32
      %dma_wait3A_171 = arith.constant 0 : i32
      %dma_wait3A_172 = tpu.memref_slice %arg3[%dma_wait3A_170, %dma_wait3A_171] : memref<1000001x64xf32, #tpu.memory_space<hbm>> -> memref<1000001x64xf32, #tpu.memory_space<hbm>>
      tpu.wait_indirect_dma semaphore(%arg8 : memref<!tpu.dma_semaphore, #tpu.memory_space<semaphore_mem>>) src(%dma_wait3A_172 : memref<1000001x64xf32, #tpu.memory_space<hbm>>) dst(%dma_wait3A_166 : memref<128x64xf32, #tpu.memory_space<vmem>>)
      %dma_wait3A_173 = arith.constant 0 : i32
      %dma_wait3A_174 = arith.constant 0 : i32
      %dma_wait3A_175 = arith.constant 1 : i32
      %dma_wait3A_176 = arith.constant 0 : i32
      %dma_wait3A_177 = arith.constant 0 : i32
      %dma_wait3A_178 = tpu.memref_slice %arg6[%dma_wait3A_174, %dma_wait3A_175, %dma_wait3A_176, %dma_wait3A_177] : memref<2x2x128x64xf32, #tpu.memory_space<vmem>> -> memref<1x1x128x64xf32, #tpu.memory_space<vmem>>
      %dma_wait3A_179 = tpu.memref_squeeze %dma_wait3A_178 : memref<1x1x128x64xf32, #tpu.memory_space<vmem>> -> memref<128x64xf32, #tpu.memory_space<vmem>>
      %dma_wait3A_180 = arith.constant 0 : i32
      %dma_wait3A_181 = tpu.memref_slice %arg5[%dma_wait3A_173, %dma_wait3A_180] : memref<200x128xi32, #tpu.memory_space<vmem>> -> memref<1x128xi32, #tpu.memory_space<vmem>>
      %dma_wait3A_182 = tpu.memref_squeeze %dma_wait3A_181 : memref<1x128xi32, #tpu.memory_space<vmem>> -> memref<128xi32, #tpu.memory_space<vmem>>
      %dma_wait3A_183 = arith.constant 0 : i32
      %dma_wait3A_184 = arith.constant 0 : i32
      %dma_wait3A_185 = tpu.memref_slice %arg3[%dma_wait3A_183, %dma_wait3A_184] : memref<1000001x64xf32, #tpu.memory_space<hbm>> -> memref<1000001x64xf32, #tpu.memory_space<hbm>>
      tpu.wait_indirect_dma semaphore(%arg8 : memref<!tpu.dma_semaphore, #tpu.memory_space<semaphore_mem>>) src(%dma_wait3A_185 : memref<1000001x64xf32, #tpu.memory_space<hbm>>) dst(%dma_wait3A_179 : memref<128x64xf32, #tpu.memory_space<vmem>>)
      %add3A_186 = arith.constant 1 : i32
      %add3A_187 = arith.addi %add3A_159, %add3A_186 : i32
      %lt3A = arith.constant 100 : i32
      %lt3A_188 = arith.cmpi slt, %add3A_187, %lt3A : i32
      %convert_element_type3A = arith.extui %lt3A_188 : i1 to i32
      %cond3A = arith.constant 0 : i32
      %cond3A_189 = arith.cmpi ne, %convert_element_type3A, %cond3A : i32
      scf.if %cond3A_189 {
        %add3A_291 = arith.constant 1 : i32
        %add3A_292 = arith.addi %add3A_159, %add3A_291 : i32
        %mul3A_293 = arith.constant 2 : i32
        %mul3A_294 = arith.muli %add3A_292, %mul3A_293 : i32
        %add3A_295 = arith.constant 0 : i32
        %add3A_296 = arith.addi %mul3A_294, %add3A_295 : i32
        %dma_start3A_297 = arith.constant 1 : i32
        %dma_start3A_298 = arith.constant 0 : i32
        %dma_start3A_299 = arith.constant 0 : i32
        %dma_start3A_300 = arith.constant 0 : i32
        %dma_start3A_301 = tpu.memref_slice %arg6[%dma_start3A_297, %dma_start3A_298, %dma_start3A_299, %dma_start3A_300] : memref<2x2x128x64xf32, #tpu.memory_space<vmem>> -> memref<1x1x128x64xf32, #tpu.memory_space<vmem>>
        %dma_start3A_302 = tpu.memref_squeeze %dma_start3A_301 : memref<1x1x128x64xf32, #tpu.memory_space<vmem>> -> memref<128x64xf32, #tpu.memory_space<vmem>>
        %dma_start3A_303 = arith.constant 0 : i32
        %dma_start3A_304 = tpu.memref_slice %arg5[%add3A_296, %dma_start3A_303] : memref<200x128xi32, #tpu.memory_space<vmem>> -> memref<1x128xi32, #tpu.memory_space<vmem>>
        %dma_start3A_305 = tpu.memref_squeeze %dma_start3A_304 : memref<1x128xi32, #tpu.memory_space<vmem>> -> memref<128xi32, #tpu.memory_space<vmem>>
        %dma_start3A_306 = arith.constant 0 : i32
        %dma_start3A_307 = arith.constant 0 : i32
        %dma_start3A_308 = tpu.memref_slice %arg3[%dma_start3A_306, %dma_start3A_307] : memref<1000001x64xf32, #tpu.memory_space<hbm>> -> memref<1000001x64xf32, #tpu.memory_space<hbm>>
        tpu.enqueue_indirect_dma source(%dma_start3A_308 : memref<1000001x64xf32, #tpu.memory_space<hbm>>) target(%dma_start3A_302 : memref<128x64xf32, #tpu.memory_space<vmem>>) offsets(%dma_start3A_305 : memref<128xi32, #tpu.memory_space<vmem>>) semaphore(%arg9 : memref<!tpu.dma_semaphore, #tpu.memory_space<semaphore_mem>>)
        %mul3A_309 = arith.constant 2 : i32
        %mul3A_310 = arith.muli %add3A_292, %mul3A_309 : i32
        %add3A_311 = arith.constant 1 : i32
        %add3A_312 = arith.addi %mul3A_310, %add3A_311 : i32
        %dma_start3A_313 = arith.constant 1 : i32
        %dma_start3A_314 = arith.constant 1 : i32
        %dma_start3A_315 = arith.constant 0 : i32
        %dma_start3A_316 = arith.constant 0 : i32
        %dma_start3A_317 = tpu.memref_slice %arg6[%dma_start3A_313, %dma_start3A_314, %dma_start3A_315, %dma_start3A_316] : memref<2x2x128x64xf32, #tpu.memory_space<vmem>> -> memref<1x1x128x64xf32, #tpu.memory_space<vmem>>
        %dma_start3A_318 = tpu.memref_squeeze %dma_start3A_317 : memref<1x1x128x64xf32, #tpu.memory_space<vmem>> -> memref<128x64xf32, #tpu.memory_space<vmem>>
        %dma_start3A_319 = arith.constant 0 : i32
        %dma_start3A_320 = tpu.memref_slice %arg5[%add3A_312, %dma_start3A_319] : memref<200x128xi32, #tpu.memory_space<vmem>> -> memref<1x128xi32, #tpu.memory_space<vmem>>
        %dma_start3A_321 = tpu.memref_squeeze %dma_start3A_320 : memref<1x128xi32, #tpu.memory_space<vmem>> -> memref<128xi32, #tpu.memory_space<vmem>>
        %dma_start3A_322 = arith.constant 0 : i32
        %dma_start3A_323 = arith.constant 0 : i32
        %dma_start3A_324 = tpu.memref_slice %arg3[%dma_start3A_322, %dma_start3A_323] : memref<1000001x64xf32, #tpu.memory_space<hbm>> -> memref<1000001x64xf32, #tpu.memory_space<hbm>>
        tpu.enqueue_indirect_dma source(%dma_start3A_324 : memref<1000001x64xf32, #tpu.memory_space<hbm>>) target(%dma_start3A_318 : memref<128x64xf32, #tpu.memory_space<vmem>>) offsets(%dma_start3A_321 : memref<128xi32, #tpu.memory_space<vmem>>) semaphore(%arg9 : memref<!tpu.dma_semaphore, #tpu.memory_space<semaphore_mem>>)
      } else {
      }
      %ge3A = arith.constant 2 : i32
      %ge3A_190 = arith.cmpi sge, %add3A_159, %ge3A : i32
      %convert_element_type3A_191 = arith.extui %ge3A_190 : i1 to i32
      %cond3A_192 = arith.constant 0 : i32
      %cond3A_193 = arith.cmpi ne, %convert_element_type3A_191, %cond3A_192 : i32
      scf.if %cond3A_193 {
        %dma_wait3A_291 = arith.constant 0 : i32
        %dma_wait3A_292 = arith.constant 0 : i32
        %dma_wait3A_293 = arith.constant 0 : i32
        %dma_wait3A_294 = arith.constant 0 : i32
        %dma_wait3A_295 = arith.constant 0 : i32
        %dma_wait3A_296 = tpu.memref_slice %arg7[%dma_wait3A_291, %dma_wait3A_292, %dma_wait3A_293, %dma_wait3A_294, %dma_wait3A_295] : memref<2x2x8x8x129xf32, #tpu.memory_space<vmem>> -> memref<1x2x8x8x128xf32, #tpu.memory_space<vmem>>
        %dma_wait3A_297 = tpu.memref_squeeze %dma_wait3A_296 : memref<1x2x8x8x128xf32, #tpu.memory_space<vmem>> -> memref<2x8x8x128xf32, #tpu.memory_space<vmem>>
        %dma_wait3A_298 = arith.constant 0 : i32
        %dma_wait3A_299 = arith.constant 0 : i32
        %dma_wait3A_300 = arith.constant 0 : i32
        %dma_wait3A_301 = arith.constant 0 : i32
        %dma_wait3A_302 = tpu.memref_slice %arg4[%dma_wait3A_298, %dma_wait3A_299, %add3A, %dma_wait3A_300, %dma_wait3A_301] : memref<200x8x32x8x128xf32, #tpu.memory_space<hbm>> -> memref<2x8x1x8x128xf32, #tpu.memory_space<hbm>>
        %dma_wait3A_303 = tpu.memref_squeeze %dma_wait3A_302 : memref<2x8x1x8x128xf32, #tpu.memory_space<hbm>> -> memref<2x8x8x128xf32, #tpu.memory_space<hbm>>
        %dma_wait3A_304 = arith.constant 0 : i32
        %dma_wait3A_305 = arith.constant 0 : i32
        %dma_wait3A_306 = arith.constant 0 : i32
        %dma_wait3A_307 = arith.constant 0 : i32
        %dma_wait3A_308 = tpu.memref_slice %arg4[%dma_wait3A_304, %dma_wait3A_305, %add3A, %dma_wait3A_306, %dma_wait3A_307] : memref<200x8x32x8x128xf32, #tpu.memory_space<hbm>> -> memref<2x8x1x8x128xf32, #tpu.memory_space<hbm>>
        %dma_wait3A_309 = tpu.memref_squeeze %dma_wait3A_308 : memref<2x8x1x8x128xf32, #tpu.memory_space<hbm>> -> memref<2x8x8x128xf32, #tpu.memory_space<hbm>>
        %dma_wait3A_310 = arith.constant 0 : i32
        %dma_wait3A_311 = arith.constant 0 : i32
        %dma_wait3A_312 = arith.constant 0 : i32
        %dma_wait3A_313 = arith.constant 0 : i32
        %dma_wait3A_314 = tpu.memref_slice %arg7[%dma_wait3A_291, %dma_wait3A_310, %dma_wait3A_311, %dma_wait3A_312, %dma_wait3A_313] : memref<2x2x8x8x129xf32, #tpu.memory_space<vmem>> -> memref<1x2x8x8x128xf32, #tpu.memory_space<vmem>>
        %dma_wait3A_315 = tpu.memref_squeeze %dma_wait3A_314 : memref<1x2x8x8x128xf32, #tpu.memory_space<vmem>> -> memref<2x8x8x128xf32, #tpu.memory_space<vmem>>
        tpu.wait_dma2 semaphore(%arg10 : memref<!tpu.dma_semaphore, #tpu.memory_space<semaphore_mem>>) src(%dma_wait3A_315 : memref<2x8x8x128xf32, #tpu.memory_space<vmem>>) dst(%dma_wait3A_309 : memref<2x8x8x128xf32, #tpu.memory_space<hbm>>)
      } else {
      }
      %parallel_loop3A = arith.constant 0 : i32
      %parallel_loop3A_194 = arith.constant 128 : i32
      %parallel_loop3A_195 = arith.constant 1 : i32
      %parallel_loop3A_196 = arith.constant 0 : i32
      scf.for %parallel_loop3A_291 = %parallel_loop3A to %parallel_loop3A_194 step %parallel_loop3A_195  : i32 {
        %parallel_loop3A_292 = vector.broadcast %parallel_loop3A_291 : i32 to vector<16xi32>
        %parallel_loop3A_293 = arith.constant 0 : i32
        %parallel_loop3A_294 = arith.constant 0 : i32
        %parallel_loop3A_295 = arith.constant 0 : i32
        %parallel_loop3A_296 = arith.constant 0 : i32
        %parallel_loop3A_297 = tpu.memref_slice %arg6[%parallel_loop3A_293, %parallel_loop3A_294, %parallel_loop3A_295, %parallel_loop3A_296] : memref<2x2x128x64xf32, #tpu.memory_space<vmem>> -> memref<1x1x128x64xf32, #tpu.memory_space<vmem>>
        %parallel_loop3A_298 = tpu.memref_squeeze %parallel_loop3A_297 : memref<1x1x128x64xf32, #tpu.memory_space<vmem>> -> memref<128x64xf32, #tpu.memory_space<vmem>>
        %parallel_loop3A_299 = arith.index_cast %parallel_loop3A_291 : i32 to index
        %parallel_loop3A_300 = arith.constant 0 : index
        %parallel_loop3A_301 = tpu.vector_load %parallel_loop3A_298[%parallel_loop3A_299, %parallel_loop3A_300] {strides = array<i32>} : memref<128x64xf32, #tpu.memory_space<vmem>>, vector<16xf32>,
        %parallel_loop3A_302 = arith.constant 0 : i32
        %parallel_loop3A_303 = arith.constant 0 : i32
        %parallel_loop3A_304 = arith.constant 0 : i32
        %parallel_loop3A_305 = arith.constant 0 : i32
        %parallel_loop3A_306 = tpu.memref_slice %arg7[%parallel_loop3A_196, %parallel_loop3A_302, %parallel_loop3A_303, %parallel_loop3A_304, %parallel_loop3A_305] : memref<2x2x8x8x129xf32, #tpu.memory_space<vmem>> -> memref<1x2x8x8x129xf32, #tpu.memory_space<vmem>>
        %parallel_loop3A_307 = tpu.memref_squeeze %parallel_loop3A_306 : memref<1x2x8x8x129xf32, #tpu.memory_space<vmem>> -> memref<2x8x8x129xf32, #tpu.memory_space<vmem>>
        tpu.vector_store_idx %parallel_loop3A_307[%broadcast_in_dim3A_73, %shift_right_arithmetic3A_31, %and3A_54, %parallel_loop3A_292], %parallel_loop3A_301 : memref<2x8x8x129xf32, #tpu.memory_space<vmem>>[vector<16xi32>, vector<16xi32>, vector<16xi32>, vector<16xi32>], vector<16xf32>,
        %parallel_loop3A_308 = arith.constant 0 : i32
        %parallel_loop3A_309 = arith.constant 0 : i32
        %parallel_loop3A_310 = arith.constant 0 : i32
        %parallel_loop3A_311 = arith.constant 0 : i32
        %parallel_loop3A_312 = tpu.memref_slice %arg6[%parallel_loop3A_308, %parallel_loop3A_309, %parallel_loop3A_310, %parallel_loop3A_311] : memref<2x2x128x64xf32, #tpu.memory_space<vmem>> -> memref<1x1x128x64xf32, #tpu.memory_space<vmem>>
        %parallel_loop3A_313 = tpu.memref_squeeze %parallel_loop3A_312 : memref<1x1x128x64xf32, #tpu.memory_space<vmem>> -> memref<128x64xf32, #tpu.memory_space<vmem>>
        %parallel_loop3A_314 = arith.index_cast %parallel_loop3A_291 : i32 to index
        %parallel_loop3A_315 = arith.constant 16 : index
        %parallel_loop3A_316 = tpu.vector_load %parallel_loop3A_313[%parallel_loop3A_314, %parallel_loop3A_315] {strides = array<i32>} : memref<128x64xf32, #tpu.memory_space<vmem>>, vector<16xf32>,
        %parallel_loop3A_317 = arith.constant 0 : i32
        %parallel_loop3A_318 = arith.constant 0 : i32
        %parallel_loop3A_319 = arith.constant 0 : i32
        %parallel_loop3A_320 = arith.constant 0 : i32
        %parallel_loop3A_321 = tpu.memref_slice %arg7[%parallel_loop3A_196, %parallel_loop3A_317, %parallel_loop3A_318, %parallel_loop3A_319, %parallel_loop3A_320] : memref<2x2x8x8x129xf32, #tpu.memory_space<vmem>> -> memref<1x2x8x8x129xf32, #tpu.memory_space<vmem>>
        %parallel_loop3A_322 = tpu.memref_squeeze %parallel_loop3A_321 : memref<1x2x8x8x129xf32, #tpu.memory_space<vmem>> -> memref<2x8x8x129xf32, #tpu.memory_space<vmem>>
        tpu.vector_store_idx %parallel_loop3A_322[%broadcast_in_dim3A_73, %shift_right_arithmetic3A_37, %and3A_60, %parallel_loop3A_292], %parallel_loop3A_316 : memref<2x8x8x129xf32, #tpu.memory_space<vmem>>[vector<16xi32>, vector<16xi32>, vector<16xi32>, vector<16xi32>], vector<16xf32>,
        %parallel_loop3A_323 = arith.constant 0 : i32
        %parallel_loop3A_324 = arith.constant 0 : i32
        %parallel_loop3A_325 = arith.constant 0 : i32
        %parallel_loop3A_326 = arith.constant 0 : i32
        %parallel_loop3A_327 = tpu.memref_slice %arg6[%parallel_loop3A_323, %parallel_loop3A_324, %parallel_loop3A_325, %parallel_loop3A_326] : memref<2x2x128x64xf32, #tpu.memory_space<vmem>> -> memref<1x1x128x64xf32, #tpu.memory_space<vmem>>
        %parallel_loop3A_328 = tpu.memref_squeeze %parallel_loop3A_327 : memref<1x1x128x64xf32, #tpu.memory_space<vmem>> -> memref<128x64xf32, #tpu.memory_space<vmem>>
        %parallel_loop3A_329 = arith.index_cast %parallel_loop3A_291 : i32 to index
        %parallel_loop3A_330 = arith.constant 32 : index
        %parallel_loop3A_331 = tpu.vector_load %parallel_loop3A_328[%parallel_loop3A_329, %parallel_loop3A_330] {strides = array<i32>} : memref<128x64xf32, #tpu.memory_space<vmem>>, vector<16xf32>,
        %parallel_loop3A_332 = arith.constant 0 : i32
        %parallel_loop3A_333 = arith.constant 0 : i32
        %parallel_loop3A_334 = arith.constant 0 : i32
        %parallel_loop3A_335 = arith.constant 0 : i32
        %parallel_loop3A_336 = tpu.memref_slice %arg7[%parallel_loop3A_196, %parallel_loop3A_332, %parallel_loop3A_333, %parallel_loop3A_334, %parallel_loop3A_335] : memref<2x2x8x8x129xf32, #tpu.memory_space<vmem>> -> memref<1x2x8x8x129xf32, #tpu.memory_space<vmem>>
        %parallel_loop3A_337 = tpu.memref_squeeze %parallel_loop3A_336 : memref<1x2x8x8x129xf32, #tpu.memory_space<vmem>> -> memref<2x8x8x129xf32, #tpu.memory_space<vmem>>
        tpu.vector_store_idx %parallel_loop3A_337[%broadcast_in_dim3A_73, %shift_right_arithmetic3A_43, %and3A_66, %parallel_loop3A_292], %parallel_loop3A_331 : memref<2x8x8x129xf32, #tpu.memory_space<vmem>>[vector<16xi32>, vector<16xi32>, vector<16xi32>, vector<16xi32>], vector<16xf32>,
        %parallel_loop3A_338 = arith.constant 0 : i32
        %parallel_loop3A_339 = arith.constant 0 : i32
        %parallel_loop3A_340 = arith.constant 0 : i32
        %parallel_loop3A_341 = arith.constant 0 : i32
        %parallel_loop3A_342 = tpu.memref_slice %arg6[%parallel_loop3A_338, %parallel_loop3A_339, %parallel_loop3A_340, %parallel_loop3A_341] : memref<2x2x128x64xf32, #tpu.memory_space<vmem>> -> memref<1x1x128x64xf32, #tpu.memory_space<vmem>>
        %parallel_loop3A_343 = tpu.memref_squeeze %parallel_loop3A_342 : memref<1x1x128x64xf32, #tpu.memory_space<vmem>> -> memref<128x64xf32, #tpu.memory_space<vmem>>
        %parallel_loop3A_344 = arith.index_cast %parallel_loop3A_291 : i32 to index
        %parallel_loop3A_345 = arith.constant 48 : index
        %parallel_loop3A_346 = tpu.vector_load %parallel_loop3A_343[%parallel_loop3A_344, %parallel_loop3A_345] {strides = array<i32>} : memref<128x64xf32, #tpu.memory_space<vmem>>, vector<16xf32>,
        %parallel_loop3A_347 = arith.constant 0 : i32
        %parallel_loop3A_348 = arith.constant 0 : i32
        %parallel_loop3A_349 = arith.constant 0 : i32
        %parallel_loop3A_350 = arith.constant 0 : i32
        %parallel_loop3A_351 = tpu.memref_slice %arg7[%parallel_loop3A_196, %parallel_loop3A_347, %parallel_loop3A_348, %parallel_loop3A_349, %parallel_loop3A_350] : memref<2x2x8x8x129xf32, #tpu.memory_space<vmem>> -> memref<1x2x8x8x129xf32, #tpu.memory_space<vmem>>
        %parallel_loop3A_352 = tpu.memref_squeeze %parallel_loop3A_351 : memref<1x2x8x8x129xf32, #tpu.memory_space<vmem>> -> memref<2x8x8x129xf32, #tpu.memory_space<vmem>>
        tpu.vector_store_idx %parallel_loop3A_352[%broadcast_in_dim3A_73, %shift_right_arithmetic3A_49, %and3A_72, %parallel_loop3A_292], %parallel_loop3A_346 : memref<2x8x8x129xf32, #tpu.memory_space<vmem>>[vector<16xi32>, vector<16xi32>, vector<16xi32>, vector<16xi32>], vector<16xf32>,
        %parallel_loop3A_353 = arith.constant 0 : i32
        %parallel_loop3A_354 = arith.constant 1 : i32
        %parallel_loop3A_355 = arith.constant 0 : i32
        %parallel_loop3A_356 = arith.constant 0 : i32
        %parallel_loop3A_357 = tpu.memref_slice %arg6[%parallel_loop3A_353, %parallel_loop3A_354, %parallel_loop3A_355, %parallel_loop3A_356] : memref<2x2x128x64xf32, #tpu.memory_space<vmem>> -> memref<1x1x128x64xf32, #tpu.memory_space<vmem>>
        %parallel_loop3A_358 = tpu.memref_squeeze %parallel_loop3A_357 : memref<1x1x128x64xf32, #tpu.memory_space<vmem>> -> memref<128x64xf32, #tpu.memory_space<vmem>>
        %parallel_loop3A_359 = arith.index_cast %parallel_loop3A_291 : i32 to index
        %parallel_loop3A_360 = arith.constant 0 : index
        %parallel_loop3A_361 = tpu.vector_load %parallel_loop3A_358[%parallel_loop3A_359, %parallel_loop3A_360] {strides = array<i32>} : memref<128x64xf32, #tpu.memory_space<vmem>>, vector<16xf32>,
        %parallel_loop3A_362 = arith.constant 0 : i32
        %parallel_loop3A_363 = arith.constant 0 : i32
        %parallel_loop3A_364 = arith.constant 0 : i32
        %parallel_loop3A_365 = arith.constant 0 : i32
        %parallel_loop3A_366 = tpu.memref_slice %arg7[%parallel_loop3A_196, %parallel_loop3A_362, %parallel_loop3A_363, %parallel_loop3A_364, %parallel_loop3A_365] : memref<2x2x8x8x129xf32, #tpu.memory_space<vmem>> -> memref<1x2x8x8x129xf32, #tpu.memory_space<vmem>>
        %parallel_loop3A_367 = tpu.memref_squeeze %parallel_loop3A_366 : memref<1x2x8x8x129xf32, #tpu.memory_space<vmem>> -> memref<2x8x8x129xf32, #tpu.memory_space<vmem>>
        tpu.vector_store_idx %parallel_loop3A_367[%broadcast_in_dim3A_75, %shift_right_arithmetic3A_31, %and3A_54, %parallel_loop3A_292], %parallel_loop3A_361 : memref<2x8x8x129xf32, #tpu.memory_space<vmem>>[vector<16xi32>, vector<16xi32>, vector<16xi32>, vector<16xi32>], vector<16xf32>,
        %parallel_loop3A_368 = arith.constant 0 : i32
        %parallel_loop3A_369 = arith.constant 1 : i32
        %parallel_loop3A_370 = arith.constant 0 : i32
        %parallel_loop3A_371 = arith.constant 0 : i32
        %parallel_loop3A_372 = tpu.memref_slice %arg6[%parallel_loop3A_368, %parallel_loop3A_369, %parallel_loop3A_370, %parallel_loop3A_371] : memref<2x2x128x64xf32, #tpu.memory_space<vmem>> -> memref<1x1x128x64xf32, #tpu.memory_space<vmem>>
        %parallel_loop3A_373 = tpu.memref_squeeze %parallel_loop3A_372 : memref<1x1x128x64xf32, #tpu.memory_space<vmem>> -> memref<128x64xf32, #tpu.memory_space<vmem>>
        %parallel_loop3A_374 = arith.index_cast %parallel_loop3A_291 : i32 to index
        %parallel_loop3A_375 = arith.constant 16 : index
        %parallel_loop3A_376 = tpu.vector_load %parallel_loop3A_373[%parallel_loop3A_374, %parallel_loop3A_375] {strides = array<i32>} : memref<128x64xf32, #tpu.memory_space<vmem>>, vector<16xf32>,
        %parallel_loop3A_377 = arith.constant 0 : i32
        %parallel_loop3A_378 = arith.constant 0 : i32
        %parallel_loop3A_379 = arith.constant 0 : i32
        %parallel_loop3A_380 = arith.constant 0 : i32
        %parallel_loop3A_381 = tpu.memref_slice %arg7[%parallel_loop3A_196, %parallel_loop3A_377, %parallel_loop3A_378, %parallel_loop3A_379, %parallel_loop3A_380] : memref<2x2x8x8x129xf32, #tpu.memory_space<vmem>> -> memref<1x2x8x8x129xf32, #tpu.memory_space<vmem>>
        %parallel_loop3A_382 = tpu.memref_squeeze %parallel_loop3A_381 : memref<1x2x8x8x129xf32, #tpu.memory_space<vmem>> -> memref<2x8x8x129xf32, #tpu.memory_space<vmem>>
        tpu.vector_store_idx %parallel_loop3A_382[%broadcast_in_dim3A_75, %shift_right_arithmetic3A_37, %and3A_60, %parallel_loop3A_292], %parallel_loop3A_376 : memref<2x8x8x129xf32, #tpu.memory_space<vmem>>[vector<16xi32>, vector<16xi32>, vector<16xi32>, vector<16xi32>], vector<16xf32>,
        %parallel_loop3A_383 = arith.constant 0 : i32
        %parallel_loop3A_384 = arith.constant 1 : i32
        %parallel_loop3A_385 = arith.constant 0 : i32
        %parallel_loop3A_386 = arith.constant 0 : i32
        %parallel_loop3A_387 = tpu.memref_slice %arg6[%parallel_loop3A_383, %parallel_loop3A_384, %parallel_loop3A_385, %parallel_loop3A_386] : memref<2x2x128x64xf32, #tpu.memory_space<vmem>> -> memref<1x1x128x64xf32, #tpu.memory_space<vmem>>
        %parallel_loop3A_388 = tpu.memref_squeeze %parallel_loop3A_387 : memref<1x1x128x64xf32, #tpu.memory_space<vmem>> -> memref<128x64xf32, #tpu.memory_space<vmem>>
        %parallel_loop3A_389 = arith.index_cast %parallel_loop3A_291 : i32 to index
        %parallel_loop3A_390 = arith.constant 32 : index
        %parallel_loop3A_391 = tpu.vector_load %parallel_loop3A_388[%parallel_loop3A_389, %parallel_loop3A_390] {strides = array<i32>} : memref<128x64xf32, #tpu.memory_space<vmem>>, vector<16xf32>,
        %parallel_loop3A_392 = arith.constant 0 : i32
        %parallel_loop3A_393 = arith.constant 0 : i32
        %parallel_loop3A_394 = arith.constant 0 : i32
        %parallel_loop3A_395 = arith.constant 0 : i32
        %parallel_loop3A_396 = tpu.memref_slice %arg7[%parallel_loop3A_196, %parallel_loop3A_392, %parallel_loop3A_393, %parallel_loop3A_394, %parallel_loop3A_395] : memref<2x2x8x8x129xf32, #tpu.memory_space<vmem>> -> memref<1x2x8x8x129xf32, #tpu.memory_space<vmem>>
        %parallel_loop3A_397 = tpu.memref_squeeze %parallel_loop3A_396 : memref<1x2x8x8x129xf32, #tpu.memory_space<vmem>> -> memref<2x8x8x129xf32, #tpu.memory_space<vmem>>
        tpu.vector_store_idx %parallel_loop3A_397[%broadcast_in_dim3A_75, %shift_right_arithmetic3A_43, %and3A_66, %parallel_loop3A_292], %parallel_loop3A_391 : memref<2x8x8x129xf32, #tpu.memory_space<vmem>>[vector<16xi32>, vector<16xi32>, vector<16xi32>, vector<16xi32>], vector<16xf32>,
        %parallel_loop3A_398 = arith.constant 0 : i32
        %parallel_loop3A_399 = arith.constant 1 : i32
        %parallel_loop3A_400 = arith.constant 0 : i32
        %parallel_loop3A_401 = arith.constant 0 : i32
        %parallel_loop3A_402 = tpu.memref_slice %arg6[%parallel_loop3A_398, %parallel_loop3A_399, %parallel_loop3A_400, %parallel_loop3A_401] : memref<2x2x128x64xf32, #tpu.memory_space<vmem>> -> memref<1x1x128x64xf32, #tpu.memory_space<vmem>>
        %parallel_loop3A_403 = tpu.memref_squeeze %parallel_loop3A_402 : memref<1x1x128x64xf32, #tpu.memory_space<vmem>> -> memref<128x64xf32, #tpu.memory_space<vmem>>
        %parallel_loop3A_404 = arith.index_cast %parallel_loop3A_291 : i32 to index
        %parallel_loop3A_405 = arith.constant 48 : index
        %parallel_loop3A_406 = tpu.vector_load %parallel_loop3A_403[%parallel_loop3A_404, %parallel_loop3A_405] {strides = array<i32>} : memref<128x64xf32, #tpu.memory_space<vmem>>, vector<16xf32>,
        %parallel_loop3A_407 = arith.constant 0 : i32
        %parallel_loop3A_408 = arith.constant 0 : i32
        %parallel_loop3A_409 = arith.constant 0 : i32
        %parallel_loop3A_410 = arith.constant 0 : i32
        %parallel_loop3A_411 = tpu.memref_slice %arg7[%parallel_loop3A_196, %parallel_loop3A_407, %parallel_loop3A_408, %parallel_loop3A_409, %parallel_loop3A_410] : memref<2x2x8x8x129xf32, #tpu.memory_space<vmem>> -> memref<1x2x8x8x129xf32, #tpu.memory_space<vmem>>
        %parallel_loop3A_412 = tpu.memref_squeeze %parallel_loop3A_411 : memref<1x2x8x8x129xf32, #tpu.memory_space<vmem>> -> memref<2x8x8x129xf32, #tpu.memory_space<vmem>>
        tpu.vector_store_idx %parallel_loop3A_412[%broadcast_in_dim3A_75, %shift_right_arithmetic3A_49, %and3A_72, %parallel_loop3A_292], %parallel_loop3A_406 : memref<2x8x8x129xf32, #tpu.memory_space<vmem>>[vector<16xi32>, vector<16xi32>, vector<16xi32>, vector<16xi32>], vector<16xf32>,
      } {sc.loop_unroll_factor = 2 : i64, sc.parallel_access}
      %mul3A_197 = arith.constant 2 : i32
      %mul3A_198 = arith.muli %add3A_159, %mul3A_197 : i32
      %dma_start3A_199 = arith.constant 0 : i32
      %dma_start3A_200 = arith.constant 0 : i32
      %dma_start3A_201 = arith.constant 0 : i32
      %dma_start3A_202 = arith.constant 0 : i32
      %dma_start3A_203 = arith.constant 0 : i32
      %dma_start3A_204 = tpu.memref_slice %arg7[%dma_start3A_199, %dma_start3A_200, %dma_start3A_201, %dma_start3A_202, %dma_start3A_203] : memref<2x2x8x8x129xf32, #tpu.memory_space<vmem>> -> memref<1x2x8x8x128xf32, #tpu.memory_space<vmem>>
      %dma_start3A_205 = tpu.memref_squeeze %dma_start3A_204 : memref<1x2x8x8x128xf32, #tpu.memory_space<vmem>> -> memref<2x8x8x128xf32, #tpu.memory_space<vmem>>
      %dma_start3A_206 = arith.constant 0 : i32
      %dma_start3A_207 = arith.constant 0 : i32
      %dma_start3A_208 = arith.constant 0 : i32
      %dma_start3A_209 = tpu.memref_slice %arg4[%mul3A_198, %dma_start3A_206, %add3A, %dma_start3A_207, %dma_start3A_208] : memref<200x8x32x8x128xf32, #tpu.memory_space<hbm>> -> memref<2x8x1x8x128xf32, #tpu.memory_space<hbm>>
      %dma_start3A_210 = tpu.memref_squeeze %dma_start3A_209 : memref<2x8x1x8x128xf32, #tpu.memory_space<hbm>> -> memref<2x8x8x128xf32, #tpu.memory_space<hbm>>
      %dma_start3A_211 = arith.constant 0 : i32
      %dma_start3A_212 = arith.constant 0 : i32
      %dma_start3A_213 = arith.constant 0 : i32
      %dma_start3A_214 = tpu.memref_slice %arg4[%mul3A_198, %dma_start3A_211, %add3A, %dma_start3A_212, %dma_start3A_213] : memref<200x8x32x8x128xf32, #tpu.memory_space<hbm>> -> memref<2x8x1x8x128xf32, #tpu.memory_space<hbm>>
      %dma_start3A_215 = tpu.memref_squeeze %dma_start3A_214 : memref<2x8x1x8x128xf32, #tpu.memory_space<hbm>> -> memref<2x8x8x128xf32, #tpu.memory_space<hbm>>
      %dma_start3A_216 = arith.constant 0 : i32
      %dma_start3A_217 = arith.constant 0 : i32
      %dma_start3A_218 = arith.constant 0 : i32
      %dma_start3A_219 = arith.constant 0 : i32
      %dma_start3A_220 = tpu.memref_slice %arg7[%dma_start3A_199, %dma_start3A_216, %dma_start3A_217, %dma_start3A_218, %dma_start3A_219] : memref<2x2x8x8x129xf32, #tpu.memory_space<vmem>> -> memref<1x2x8x8x128xf32, #tpu.memory_space<vmem>>
      %dma_start3A_221 = tpu.memref_squeeze %dma_start3A_220 : memref<1x2x8x8x128xf32, #tpu.memory_space<vmem>> -> memref<2x8x8x128xf32, #tpu.memory_space<vmem>>
      tpu.enqueue_dma source(%dma_start3A_221 : memref<2x8x8x128xf32, #tpu.memory_space<vmem>>) target(%dma_start3A_215 : memref<2x8x8x128xf32, #tpu.memory_space<hbm>>) target_semaphore(%arg10 : memref<!tpu.dma_semaphore, #tpu.memory_space<semaphore_mem>>)
      %add3A_222 = arith.constant 1 : i32
      %add3A_223 = arith.addi %mul3A_157, %add3A_222 : i32
      %dma_wait3A_224 = arith.constant 0 : i32
      %dma_wait3A_225 = arith.constant 1 : i32
      %dma_wait3A_226 = arith.constant 0 : i32
      %dma_wait3A_227 = arith.constant 0 : i32
      %dma_wait3A_228 = arith.constant 0 : i32
      %dma_wait3A_229 = tpu.memref_slice %arg6[%dma_wait3A_225, %dma_wait3A_226, %dma_wait3A_227, %dma_wait3A_228] : memref<2x2x128x64xf32, #tpu.memory_space<vmem>> -> memref<1x1x128x64xf32, #tpu.memory_space<vmem>>
      %dma_wait3A_230 = tpu.memref_squeeze %dma_wait3A_229 : memref<1x1x128x64xf32, #tpu.memory_space<vmem>> -> memref<128x64xf32, #tpu.memory_space<vmem>>
      %dma_wait3A_231 = arith.constant 0 : i32
      %dma_wait3A_232 = tpu.memref_slice %arg5[%dma_wait3A_224, %dma_wait3A_231] : memref<200x128xi32, #tpu.memory_space<vmem>> -> memref<1x128xi32, #tpu.memory_space<vmem>>
      %dma_wait3A_233 = tpu.memref_squeeze %dma_wait3A_232 : memref<1x128xi32, #tpu.memory_space<vmem>> -> memref<128xi32, #tpu.memory_space<vmem>>
      %dma_wait3A_234 = arith.constant 0 : i32
      %dma_wait3A_235 = arith.constant 0 : i32
      %dma_wait3A_236 = tpu.memref_slice %arg3[%dma_wait3A_234, %dma_wait3A_235] : memref<1000001x64xf32, #tpu.memory_space<hbm>> -> memref<1000001x64xf32, #tpu.memory_space<hbm>>
      tpu.wait_indirect_dma semaphore(%arg9 : memref<!tpu.dma_semaphore, #tpu.memory_space<semaphore_mem>>) src(%dma_wait3A_236 : memref<1000001x64xf32, #tpu.memory_space<hbm>>) dst(%dma_wait3A_230 : memref<128x64xf32, #tpu.memory_space<vmem>>)
      %dma_wait3A_237 = arith.constant 0 : i32
      %dma_wait3A_238 = arith.constant 1 : i32
      %dma_wait3A_239 = arith.constant 1 : i32
      %dma_wait3A_240 = arith.constant 0 : i32
      %dma_wait3A_241 = arith.constant 0 : i32
      %dma_wait3A_242 = tpu.memref_slice %arg6[%dma_wait3A_238, %dma_wait3A_239, %dma_wait3A_240, %dma_wait3A_241] : memref<2x2x128x64xf32, #tpu.memory_space<vmem>> -> memref<1x1x128x64xf32, #tpu.memory_space<vmem>>
      %dma_wait3A_243 = tpu.memref_squeeze %dma_wait3A_242 : memref<1x1x128x64xf32, #tpu.memory_space<vmem>> -> memref<128x64xf32, #tpu.memory_space<vmem>>
      %dma_wait3A_244 = arith.constant 0 : i32
      %dma_wait3A_245 = tpu.memref_slice %arg5[%dma_wait3A_237, %dma_wait3A_244] : memref<200x128xi32, #tpu.memory_space<vmem>> -> memref<1x128xi32, #tpu.memory_space<vmem>>
      %dma_wait3A_246 = tpu.memref_squeeze %dma_wait3A_245 : memref<1x128xi32, #tpu.memory_space<vmem>> -> memref<128xi32, #tpu.memory_space<vmem>>
      %dma_wait3A_247 = arith.constant 0 : i32
      %dma_wait3A_248 = arith.constant 0 : i32
      %dma_wait3A_249 = tpu.memref_slice %arg3[%dma_wait3A_247, %dma_wait3A_248] : memref<1000001x64xf32, #tpu.memory_space<hbm>> -> memref<1000001x64xf32, #tpu.memory_space<hbm>>
      tpu.wait_indirect_dma semaphore(%arg9 : memref<!tpu.dma_semaphore, #tpu.memory_space<semaphore_mem>>) src(%dma_wait3A_249 : memref<1000001x64xf32, #tpu.memory_space<hbm>>) dst(%dma_wait3A_243 : memref<128x64xf32, #tpu.memory_space<vmem>>)
      %add3A_250 = arith.constant 1 : i32
      %add3A_251 = arith.addi %add3A_223, %add3A_250 : i32
      %lt3A_252 = arith.constant 100 : i32
      %lt3A_253 = arith.cmpi slt, %add3A_251, %lt3A_252 : i32
      %convert_element_type3A_254 = arith.extui %lt3A_253 : i1 to i32
      %cond3A_255 = arith.constant 0 : i32
      %cond3A_256 = arith.cmpi ne, %convert_element_type3A_254, %cond3A_255 : i32
      scf.if %cond3A_256 {
        %add3A_291 = arith.constant 1 : i32
        %add3A_292 = arith.addi %add3A_223, %add3A_291 : i32
        %mul3A_293 = arith.constant 2 : i32
        %mul3A_294 = arith.muli %add3A_292, %mul3A_293 : i32
        %add3A_295 = arith.constant 0 : i32
        %add3A_296 = arith.addi %mul3A_294, %add3A_295 : i32
        %dma_start3A_297 = arith.constant 0 : i32
        %dma_start3A_298 = arith.constant 0 : i32
        %dma_start3A_299 = arith.constant 0 : i32
        %dma_start3A_300 = arith.constant 0 : i32
        %dma_start3A_301 = tpu.memref_slice %arg6[%dma_start3A_297, %dma_start3A_298, %dma_start3A_299, %dma_start3A_300] : memref<2x2x128x64xf32, #tpu.memory_space<vmem>> -> memref<1x1x128x64xf32, #tpu.memory_space<vmem>>
        %dma_start3A_302 = tpu.memref_squeeze %dma_start3A_301 : memref<1x1x128x64xf32, #tpu.memory_space<vmem>> -> memref<128x64xf32, #tpu.memory_space<vmem>>
        %dma_start3A_303 = arith.constant 0 : i32
        %dma_start3A_304 = tpu.memref_slice %arg5[%add3A_296, %dma_start3A_303] : memref<200x128xi32, #tpu.memory_space<vmem>> -> memref<1x128xi32, #tpu.memory_space<vmem>>
        %dma_start3A_305 = tpu.memref_squeeze %dma_start3A_304 : memref<1x128xi32, #tpu.memory_space<vmem>> -> memref<128xi32, #tpu.memory_space<vmem>>
        %dma_start3A_306 = arith.constant 0 : i32
        %dma_start3A_307 = arith.constant 0 : i32
        %dma_start3A_308 = tpu.memref_slice %arg3[%dma_start3A_306, %dma_start3A_307] : memref<1000001x64xf32, #tpu.memory_space<hbm>> -> memref<1000001x64xf32, #tpu.memory_space<hbm>>
        tpu.enqueue_indirect_dma source(%dma_start3A_308 : memref<1000001x64xf32, #tpu.memory_space<hbm>>) target(%dma_start3A_302 : memref<128x64xf32, #tpu.memory_space<vmem>>) offsets(%dma_start3A_305 : memref<128xi32, #tpu.memory_space<vmem>>) semaphore(%arg8 : memref<!tpu.dma_semaphore, #tpu.memory_space<semaphore_mem>>)
        %mul3A_309 = arith.constant 2 : i32
        %mul3A_310 = arith.muli %add3A_292, %mul3A_309 : i32
        %add3A_311 = arith.constant 1 : i32
        %add3A_312 = arith.addi %mul3A_310, %add3A_311 : i32
        %dma_start3A_313 = arith.constant 0 : i32
        %dma_start3A_314 = arith.constant 1 : i32
        %dma_start3A_315 = arith.constant 0 : i32
        %dma_start3A_316 = arith.constant 0 : i32
        %dma_start3A_317 = tpu.memref_slice %arg6[%dma_start3A_313, %dma_start3A_314, %dma_start3A_315, %dma_start3A_316] : memref<2x2x128x64xf32, #tpu.memory_space<vmem>> -> memref<1x1x128x64xf32, #tpu.memory_space<vmem>>
        %dma_start3A_318 = tpu.memref_squeeze %dma_start3A_317 : memref<1x1x128x64xf32, #tpu.memory_space<vmem>> -> memref<128x64xf32, #tpu.memory_space<vmem>>
        %dma_start3A_319 = arith.constant 0 : i32
        %dma_start3A_320 = tpu.memref_slice %arg5[%add3A_312, %dma_start3A_319] : memref<200x128xi32, #tpu.memory_space<vmem>> -> memref<1x128xi32, #tpu.memory_space<vmem>>
        %dma_start3A_321 = tpu.memref_squeeze %dma_start3A_320 : memref<1x128xi32, #tpu.memory_space<vmem>> -> memref<128xi32, #tpu.memory_space<vmem>>
        %dma_start3A_322 = arith.constant 0 : i32
        %dma_start3A_323 = arith.constant 0 : i32
        %dma_start3A_324 = tpu.memref_slice %arg3[%dma_start3A_322, %dma_start3A_323] : memref<1000001x64xf32, #tpu.memory_space<hbm>> -> memref<1000001x64xf32, #tpu.memory_space<hbm>>
        tpu.enqueue_indirect_dma source(%dma_start3A_324 : memref<1000001x64xf32, #tpu.memory_space<hbm>>) target(%dma_start3A_318 : memref<128x64xf32, #tpu.memory_space<vmem>>) offsets(%dma_start3A_321 : memref<128xi32, #tpu.memory_space<vmem>>) semaphore(%arg8 : memref<!tpu.dma_semaphore, #tpu.memory_space<semaphore_mem>>)
      } else {
      }
      %ge3A_257 = arith.constant 2 : i32
      %ge3A_258 = arith.cmpi sge, %add3A_223, %ge3A_257 : i32
      %convert_element_type3A_259 = arith.extui %ge3A_258 : i1 to i32
      %cond3A_260 = arith.constant 0 : i32
      %cond3A_261 = arith.cmpi ne, %convert_element_type3A_259, %cond3A_260 : i32
      scf.if %cond3A_261 {
        %dma_wait3A_291 = arith.constant 1 : i32
        %dma_wait3A_292 = arith.constant 0 : i32
        %dma_wait3A_293 = arith.constant 0 : i32
        %dma_wait3A_294 = arith.constant 0 : i32
        %dma_wait3A_295 = arith.constant 0 : i32
        %dma_wait3A_296 = tpu.memref_slice %arg7[%dma_wait3A_291, %dma_wait3A_292, %dma_wait3A_293, %dma_wait3A_294, %dma_wait3A_295] : memref<2x2x8x8x129xf32, #tpu.memory_space<vmem>> -> memref<1x2x8x8x128xf32, #tpu.memory_space<vmem>>
        %dma_wait3A_297 = tpu.memref_squeeze %dma_wait3A_296 : memref<1x2x8x8x128xf32, #tpu.memory_space<vmem>> -> memref<2x8x8x128xf32, #tpu.memory_space<vmem>>
        %dma_wait3A_298 = arith.constant 0 : i32
        %dma_wait3A_299 = arith.constant 0 : i32
        %dma_wait3A_300 = arith.constant 0 : i32
        %dma_wait3A_301 = arith.constant 0 : i32
        %dma_wait3A_302 = tpu.memref_slice %arg4[%dma_wait3A_298, %dma_wait3A_299, %add3A, %dma_wait3A_300, %dma_wait3A_301] : memref<200x8x32x8x128xf32, #tpu.memory_space<hbm>> -> memref<2x8x1x8x128xf32, #tpu.memory_space<hbm>>
        %dma_wait3A_303 = tpu.memref_squeeze %dma_wait3A_302 : memref<2x8x1x8x128xf32, #tpu.memory_space<hbm>> -> memref<2x8x8x128xf32, #tpu.memory_space<hbm>>
        %dma_wait3A_304 = arith.constant 0 : i32
        %dma_wait3A_305 = arith.constant 0 : i32
        %dma_wait3A_306 = arith.constant 0 : i32
        %dma_wait3A_307 = arith.constant 0 : i32
        %dma_wait3A_308 = tpu.memref_slice %arg4[%dma_wait3A_304, %dma_wait3A_305, %add3A, %dma_wait3A_306, %dma_wait3A_307] : memref<200x8x32x8x128xf32, #tpu.memory_space<hbm>> -> memref<2x8x1x8x128xf32, #tpu.memory_space<hbm>>
        %dma_wait3A_309 = tpu.memref_squeeze %dma_wait3A_308 : memref<2x8x1x8x128xf32, #tpu.memory_space<hbm>> -> memref<2x8x8x128xf32, #tpu.memory_space<hbm>>
        %dma_wait3A_310 = arith.constant 0 : i32
        %dma_wait3A_311 = arith.constant 0 : i32
        %dma_wait3A_312 = arith.constant 0 : i32
        %dma_wait3A_313 = arith.constant 0 : i32
        %dma_wait3A_314 = tpu.memref_slice %arg7[%dma_wait3A_291, %dma_wait3A_310, %dma_wait3A_311, %dma_wait3A_312, %dma_wait3A_313] : memref<2x2x8x8x129xf32, #tpu.memory_space<vmem>> -> memref<1x2x8x8x128xf32, #tpu.memory_space<vmem>>
        %dma_wait3A_315 = tpu.memref_squeeze %dma_wait3A_314 : memref<1x2x8x8x128xf32, #tpu.memory_space<vmem>> -> memref<2x8x8x128xf32, #tpu.memory_space<vmem>>
        tpu.wait_dma2 semaphore(%arg11 : memref<!tpu.dma_semaphore, #tpu.memory_space<semaphore_mem>>) src(%dma_wait3A_315 : memref<2x8x8x128xf32, #tpu.memory_space<vmem>>) dst(%dma_wait3A_309 : memref<2x8x8x128xf32, #tpu.memory_space<hbm>>)
      } else {
      }
      %parallel_loop3A_262 = arith.constant 0 : i32
      %parallel_loop3A_263 = arith.constant 128 : i32
      %parallel_loop3A_264 = arith.constant 1 : i32
      %parallel_loop3A_265 = arith.constant 1 : i32
      scf.for %parallel_loop3A_291 = %parallel_loop3A_262 to %parallel_loop3A_263 step %parallel_loop3A_264  : i32 {
        %parallel_loop3A_292 = vector.broadcast %parallel_loop3A_291 : i32 to vector<16xi32>
        %parallel_loop3A_293 = arith.constant 1 : i32
        %parallel_loop3A_294 = arith.constant 0 : i32
        %parallel_loop3A_295 = arith.constant 0 : i32
        %parallel_loop3A_296 = arith.constant 0 : i32
        %parallel_loop3A_297 = tpu.memref_slice %arg6[%parallel_loop3A_293, %parallel_loop3A_294, %parallel_loop3A_295, %parallel_loop3A_296] : memref<2x2x128x64xf32, #tpu.memory_space<vmem>> -> memref<1x1x128x64xf32, #tpu.memory_space<vmem>>
        %parallel_loop3A_298 = tpu.memref_squeeze %parallel_loop3A_297 : memref<1x1x128x64xf32, #tpu.memory_space<vmem>> -> memref<128x64xf32, #tpu.memory_space<vmem>>
        %parallel_loop3A_299 = arith.index_cast %parallel_loop3A_291 : i32 to index
        %parallel_loop3A_300 = arith.constant 0 : index
        %parallel_loop3A_301 = tpu.vector_load %parallel_loop3A_298[%parallel_loop3A_299, %parallel_loop3A_300] {strides = array<i32>} : memref<128x64xf32, #tpu.memory_space<vmem>>, vector<16xf32>,
        %parallel_loop3A_302 = arith.constant 0 : i32
        %parallel_loop3A_303 = arith.constant 0 : i32
        %parallel_loop3A_304 = arith.constant 0 : i32
        %parallel_loop3A_305 = arith.constant 0 : i32
        %parallel_loop3A_306 = tpu.memref_slice %arg7[%parallel_loop3A_265, %parallel_loop3A_302, %parallel_loop3A_303, %parallel_loop3A_304, %parallel_loop3A_305] : memref<2x2x8x8x129xf32, #tpu.memory_space<vmem>> -> memref<1x2x8x8x129xf32, #tpu.memory_space<vmem>>
        %parallel_loop3A_307 = tpu.memref_squeeze %parallel_loop3A_306 : memref<1x2x8x8x129xf32, #tpu.memory_space<vmem>> -> memref<2x8x8x129xf32, #tpu.memory_space<vmem>>
        tpu.vector_store_idx %parallel_loop3A_307[%broadcast_in_dim3A_73, %shift_right_arithmetic3A_31, %and3A_54, %parallel_loop3A_292], %parallel_loop3A_301 : memref<2x8x8x129xf32, #tpu.memory_space<vmem>>[vector<16xi32>, vector<16xi32>, vector<16xi32>, vector<16xi32>], vector<16xf32>,
        %parallel_loop3A_308 = arith.constant 1 : i32
        %parallel_loop3A_309 = arith.constant 0 : i32
        %parallel_loop3A_310 = arith.constant 0 : i32
        %parallel_loop3A_311 = arith.constant 0 : i32
        %parallel_loop3A_312 = tpu.memref_slice %arg6[%parallel_loop3A_308, %parallel_loop3A_309, %parallel_loop3A_310, %parallel_loop3A_311] : memref<2x2x128x64xf32, #tpu.memory_space<vmem>> -> memref<1x1x128x64xf32, #tpu.memory_space<vmem>>
        %parallel_loop3A_313 = tpu.memref_squeeze %parallel_loop3A_312 : memref<1x1x128x64xf32, #tpu.memory_space<vmem>> -> memref<128x64xf32, #tpu.memory_space<vmem>>
        %parallel_loop3A_314 = arith.index_cast %parallel_loop3A_291 : i32 to index
        %parallel_loop3A_315 = arith.constant 16 : index
        %parallel_loop3A_316 = tpu.vector_load %parallel_loop3A_313[%parallel_loop3A_314, %parallel_loop3A_315] {strides = array<i32>} : memref<128x64xf32, #tpu.memory_space<vmem>>, vector<16xf32>,
        %parallel_loop3A_317 = arith.constant 0 : i32
        %parallel_loop3A_318 = arith.constant 0 : i32
        %parallel_loop3A_319 = arith.constant 0 : i32
        %parallel_loop3A_320 = arith.constant 0 : i32
        %parallel_loop3A_321 = tpu.memref_slice %arg7[%parallel_loop3A_265, %parallel_loop3A_317, %parallel_loop3A_318, %parallel_loop3A_319, %parallel_loop3A_320] : memref<2x2x8x8x129xf32, #tpu.memory_space<vmem>> -> memref<1x2x8x8x129xf32, #tpu.memory_space<vmem>>
        %parallel_loop3A_322 = tpu.memref_squeeze %parallel_loop3A_321 : memref<1x2x8x8x129xf32, #tpu.memory_space<vmem>> -> memref<2x8x8x129xf32, #tpu.memory_space<vmem>>
        tpu.vector_store_idx %parallel_loop3A_322[%broadcast_in_dim3A_73, %shift_right_arithmetic3A_37, %and3A_60, %parallel_loop3A_292], %parallel_loop3A_316 : memref<2x8x8x129xf32, #tpu.memory_space<vmem>>[vector<16xi32>, vector<16xi32>, vector<16xi32>, vector<16xi32>], vector<16xf32>,
        %parallel_loop3A_323 = arith.constant 1 : i32
        %parallel_loop3A_324 = arith.constant 0 : i32
        %parallel_loop3A_325 = arith.constant 0 : i32
        %parallel_loop3A_326 = arith.constant 0 : i32
        %parallel_loop3A_327 = tpu.memref_slice %arg6[%parallel_loop3A_323, %parallel_loop3A_324, %parallel_loop3A_325, %parallel_loop3A_326] : memref<2x2x128x64xf32, #tpu.memory_space<vmem>> -> memref<1x1x128x64xf32, #tpu.memory_space<vmem>>
        %parallel_loop3A_328 = tpu.memref_squeeze %parallel_loop3A_327 : memref<1x1x128x64xf32, #tpu.memory_space<vmem>> -> memref<128x64xf32, #tpu.memory_space<vmem>>
        %parallel_loop3A_329 = arith.index_cast %parallel_loop3A_291 : i32 to index
        %parallel_loop3A_330 = arith.constant 32 : index
        %parallel_loop3A_331 = tpu.vector_load %parallel_loop3A_328[%parallel_loop3A_329, %parallel_loop3A_330] {strides = array<i32>} : memref<128x64xf32, #tpu.memory_space<vmem>>, vector<16xf32>,
        %parallel_loop3A_332 = arith.constant 0 : i32
        %parallel_loop3A_333 = arith.constant 0 : i32
        %parallel_loop3A_334 = arith.constant 0 : i32
        %parallel_loop3A_335 = arith.constant 0 : i32
        %parallel_loop3A_336 = tpu.memref_slice %arg7[%parallel_loop3A_265, %parallel_loop3A_332, %parallel_loop3A_333, %parallel_loop3A_334, %parallel_loop3A_335] : memref<2x2x8x8x129xf32, #tpu.memory_space<vmem>> -> memref<1x2x8x8x129xf32, #tpu.memory_space<vmem>>
        %parallel_loop3A_337 = tpu.memref_squeeze %parallel_loop3A_336 : memref<1x2x8x8x129xf32, #tpu.memory_space<vmem>> -> memref<2x8x8x129xf32, #tpu.memory_space<vmem>>
        tpu.vector_store_idx %parallel_loop3A_337[%broadcast_in_dim3A_73, %shift_right_arithmetic3A_43, %and3A_66, %parallel_loop3A_292], %parallel_loop3A_331 : memref<2x8x8x129xf32, #tpu.memory_space<vmem>>[vector<16xi32>, vector<16xi32>, vector<16xi32>, vector<16xi32>], vector<16xf32>,
        %parallel_loop3A_338 = arith.constant 1 : i32
        %parallel_loop3A_339 = arith.constant 0 : i32
        %parallel_loop3A_340 = arith.constant 0 : i32
        %parallel_loop3A_341 = arith.constant 0 : i32
        %parallel_loop3A_342 = tpu.memref_slice %arg6[%parallel_loop3A_338, %parallel_loop3A_339, %parallel_loop3A_340, %parallel_loop3A_341] : memref<2x2x128x64xf32, #tpu.memory_space<vmem>> -> memref<1x1x128x64xf32, #tpu.memory_space<vmem>>
        %parallel_loop3A_343 = tpu.memref_squeeze %parallel_loop3A_342 : memref<1x1x128x64xf32, #tpu.memory_space<vmem>> -> memref<128x64xf32, #tpu.memory_space<vmem>>
        %parallel_loop3A_344 = arith.index_cast %parallel_loop3A_291 : i32 to index
        %parallel_loop3A_345 = arith.constant 48 : index
        %parallel_loop3A_346 = tpu.vector_load %parallel_loop3A_343[%parallel_loop3A_344, %parallel_loop3A_345] {strides = array<i32>} : memref<128x64xf32, #tpu.memory_space<vmem>>, vector<16xf32>,
        %parallel_loop3A_347 = arith.constant 0 : i32
        %parallel_loop3A_348 = arith.constant 0 : i32
        %parallel_loop3A_349 = arith.constant 0 : i32
        %parallel_loop3A_350 = arith.constant 0 : i32
        %parallel_loop3A_351 = tpu.memref_slice %arg7[%parallel_loop3A_265, %parallel_loop3A_347, %parallel_loop3A_348, %parallel_loop3A_349, %parallel_loop3A_350] : memref<2x2x8x8x129xf32, #tpu.memory_space<vmem>> -> memref<1x2x8x8x129xf32, #tpu.memory_space<vmem>>
        %parallel_loop3A_352 = tpu.memref_squeeze %parallel_loop3A_351 : memref<1x2x8x8x129xf32, #tpu.memory_space<vmem>> -> memref<2x8x8x129xf32, #tpu.memory_space<vmem>>
        tpu.vector_store_idx %parallel_loop3A_352[%broadcast_in_dim3A_73, %shift_right_arithmetic3A_49, %and3A_72, %parallel_loop3A_292], %parallel_loop3A_346 : memref<2x8x8x129xf32, #tpu.memory_space<vmem>>[vector<16xi32>, vector<16xi32>, vector<16xi32>, vector<16xi32>], vector<16xf32>,
        %parallel_loop3A_353 = arith.constant 1 : i32
        %parallel_loop3A_354 = arith.constant 1 : i32
        %parallel_loop3A_355 = arith.constant 0 : i32
        %parallel_loop3A_356 = arith.constant 0 : i32
        %parallel_loop3A_357 = tpu.memref_slice %arg6[%parallel_loop3A_353, %parallel_loop3A_354, %parallel_loop3A_355, %parallel_loop3A_356] : memref<2x2x128x64xf32, #tpu.memory_space<vmem>> -> memref<1x1x128x64xf32, #tpu.memory_space<vmem>>
        %parallel_loop3A_358 = tpu.memref_squeeze %parallel_loop3A_357 : memref<1x1x128x64xf32, #tpu.memory_space<vmem>> -> memref<128x64xf32, #tpu.memory_space<vmem>>
        %parallel_loop3A_359 = arith.index_cast %parallel_loop3A_291 : i32 to index
        %parallel_loop3A_360 = arith.constant 0 : index
        %parallel_loop3A_361 = tpu.vector_load %parallel_loop3A_358[%parallel_loop3A_359, %parallel_loop3A_360] {strides = array<i32>} : memref<128x64xf32, #tpu.memory_space<vmem>>, vector<16xf32>,
        %parallel_loop3A_362 = arith.constant 0 : i32
        %parallel_loop3A_363 = arith.constant 0 : i32
        %parallel_loop3A_364 = arith.constant 0 : i32
        %parallel_loop3A_365 = arith.constant 0 : i32
        %parallel_loop3A_366 = tpu.memref_slice %arg7[%parallel_loop3A_265, %parallel_loop3A_362, %parallel_loop3A_363, %parallel_loop3A_364, %parallel_loop3A_365] : memref<2x2x8x8x129xf32, #tpu.memory_space<vmem>> -> memref<1x2x8x8x129xf32, #tpu.memory_space<vmem>>
        %parallel_loop3A_367 = tpu.memref_squeeze %parallel_loop3A_366 : memref<1x2x8x8x129xf32, #tpu.memory_space<vmem>> -> memref<2x8x8x129xf32, #tpu.memory_space<vmem>>
        tpu.vector_store_idx %parallel_loop3A_367[%broadcast_in_dim3A_75, %shift_right_arithmetic3A_31, %and3A_54, %parallel_loop3A_292], %parallel_loop3A_361 : memref<2x8x8x129xf32, #tpu.memory_space<vmem>>[vector<16xi32>, vector<16xi32>, vector<16xi32>, vector<16xi32>], vector<16xf32>,
        %parallel_loop3A_368 = arith.constant 1 : i32
        %parallel_loop3A_369 = arith.constant 1 : i32
        %parallel_loop3A_370 = arith.constant 0 : i32
        %parallel_loop3A_371 = arith.constant 0 : i32
        %parallel_loop3A_372 = tpu.memref_slice %arg6[%parallel_loop3A_368, %parallel_loop3A_369, %parallel_loop3A_370, %parallel_loop3A_371] : memref<2x2x128x64xf32, #tpu.memory_space<vmem>> -> memref<1x1x128x64xf32, #tpu.memory_space<vmem>>
        %parallel_loop3A_373 = tpu.memref_squeeze %parallel_loop3A_372 : memref<1x1x128x64xf32, #tpu.memory_space<vmem>> -> memref<128x64xf32, #tpu.memory_space<vmem>>
        %parallel_loop3A_374 = arith.index_cast %parallel_loop3A_291 : i32 to index
        %parallel_loop3A_375 = arith.constant 16 : index
        %parallel_loop3A_376 = tpu.vector_load %parallel_loop3A_373[%parallel_loop3A_374, %parallel_loop3A_375] {strides = array<i32>} : memref<128x64xf32, #tpu.memory_space<vmem>>, vector<16xf32>,
        %parallel_loop3A_377 = arith.constant 0 : i32
        %parallel_loop3A_378 = arith.constant 0 : i32
        %parallel_loop3A_379 = arith.constant 0 : i32
        %parallel_loop3A_380 = arith.constant 0 : i32
        %parallel_loop3A_381 = tpu.memref_slice %arg7[%parallel_loop3A_265, %parallel_loop3A_377, %parallel_loop3A_378, %parallel_loop3A_379, %parallel_loop3A_380] : memref<2x2x8x8x129xf32, #tpu.memory_space<vmem>> -> memref<1x2x8x8x129xf32, #tpu.memory_space<vmem>>
        %parallel_loop3A_382 = tpu.memref_squeeze %parallel_loop3A_381 : memref<1x2x8x8x129xf32, #tpu.memory_space<vmem>> -> memref<2x8x8x129xf32, #tpu.memory_space<vmem>>
        tpu.vector_store_idx %parallel_loop3A_382[%broadcast_in_dim3A_75, %shift_right_arithmetic3A_37, %and3A_60, %parallel_loop3A_292], %parallel_loop3A_376 : memref<2x8x8x129xf32, #tpu.memory_space<vmem>>[vector<16xi32>, vector<16xi32>, vector<16xi32>, vector<16xi32>], vector<16xf32>,
        %parallel_loop3A_383 = arith.constant 1 : i32
        %parallel_loop3A_384 = arith.constant 1 : i32
        %parallel_loop3A_385 = arith.constant 0 : i32
        %parallel_loop3A_386 = arith.constant 0 : i32
        %parallel_loop3A_387 = tpu.memref_slice %arg6[%parallel_loop3A_383, %parallel_loop3A_384, %parallel_loop3A_385, %parallel_loop3A_386] : memref<2x2x128x64xf32, #tpu.memory_space<vmem>> -> memref<1x1x128x64xf32, #tpu.memory_space<vmem>>
        %parallel_loop3A_388 = tpu.memref_squeeze %parallel_loop3A_387 : memref<1x1x128x64xf32, #tpu.memory_space<vmem>> -> memref<128x64xf32, #tpu.memory_space<vmem>>
        %parallel_loop3A_389 = arith.index_cast %parallel_loop3A_291 : i32 to index
        %parallel_loop3A_390 = arith.constant 32 : index
        %parallel_loop3A_391 = tpu.vector_load %parallel_loop3A_388[%parallel_loop3A_389, %parallel_loop3A_390] {strides = array<i32>} : memref<128x64xf32, #tpu.memory_space<vmem>>, vector<16xf32>,
        %parallel_loop3A_392 = arith.constant 0 : i32
        %parallel_loop3A_393 = arith.constant 0 : i32
        %parallel_loop3A_394 = arith.constant 0 : i32
        %parallel_loop3A_395 = arith.constant 0 : i32
        %parallel_loop3A_396 = tpu.memref_slice %arg7[%parallel_loop3A_265, %parallel_loop3A_392, %parallel_loop3A_393, %parallel_loop3A_394, %parallel_loop3A_395] : memref<2x2x8x8x129xf32, #tpu.memory_space<vmem>> -> memref<1x2x8x8x129xf32, #tpu.memory_space<vmem>>
        %parallel_loop3A_397 = tpu.memref_squeeze %parallel_loop3A_396 : memref<1x2x8x8x129xf32, #tpu.memory_space<vmem>> -> memref<2x8x8x129xf32, #tpu.memory_space<vmem>>
        tpu.vector_store_idx %parallel_loop3A_397[%broadcast_in_dim3A_75, %shift_right_arithmetic3A_43, %and3A_66, %parallel_loop3A_292], %parallel_loop3A_391 : memref<2x8x8x129xf32, #tpu.memory_space<vmem>>[vector<16xi32>, vector<16xi32>, vector<16xi32>, vector<16xi32>], vector<16xf32>,
        %parallel_loop3A_398 = arith.constant 1 : i32
        %parallel_loop3A_399 = arith.constant 1 : i32
        %parallel_loop3A_400 = arith.constant 0 : i32
        %parallel_loop3A_401 = arith.constant 0 : i32
        %parallel_loop3A_402 = tpu.memref_slice %arg6[%parallel_loop3A_398, %parallel_loop3A_399, %parallel_loop3A_400, %parallel_loop3A_401] : memref<2x2x128x64xf32, #tpu.memory_space<vmem>> -> memref<1x1x128x64xf32, #tpu.memory_space<vmem>>
        %parallel_loop3A_403 = tpu.memref_squeeze %parallel_loop3A_402 : memref<1x1x128x64xf32, #tpu.memory_space<vmem>> -> memref<128x64xf32, #tpu.memory_space<vmem>>
        %parallel_loop3A_404 = arith.index_cast %parallel_loop3A_291 : i32 to index
        %parallel_loop3A_405 = arith.constant 48 : index
        %parallel_loop3A_406 = tpu.vector_load %parallel_loop3A_403[%parallel_loop3A_404, %parallel_loop3A_405] {strides = array<i32>} : memref<128x64xf32, #tpu.memory_space<vmem>>, vector<16xf32>,
        %parallel_loop3A_407 = arith.constant 0 : i32
        %parallel_loop3A_408 = arith.constant 0 : i32
        %parallel_loop3A_409 = arith.constant 0 : i32
        %parallel_loop3A_410 = arith.constant 0 : i32
        %parallel_loop3A_411 = tpu.memref_slice %arg7[%parallel_loop3A_265, %parallel_loop3A_407, %parallel_loop3A_408, %parallel_loop3A_409, %parallel_loop3A_410] : memref<2x2x8x8x129xf32, #tpu.memory_space<vmem>> -> memref<1x2x8x8x129xf32, #tpu.memory_space<vmem>>
        %parallel_loop3A_412 = tpu.memref_squeeze %parallel_loop3A_411 : memref<1x2x8x8x129xf32, #tpu.memory_space<vmem>> -> memref<2x8x8x129xf32, #tpu.memory_space<vmem>>
        tpu.vector_store_idx %parallel_loop3A_412[%broadcast_in_dim3A_75, %shift_right_arithmetic3A_49, %and3A_72, %parallel_loop3A_292], %parallel_loop3A_406 : memref<2x8x8x129xf32, #tpu.memory_space<vmem>>[vector<16xi32>, vector<16xi32>, vector<16xi32>, vector<16xi32>], vector<16xf32>,
      } {sc.loop_unroll_factor = 2 : i64, sc.parallel_access}
      %mul3A_266 = arith.constant 2 : i32
      %mul3A_267 = arith.muli %add3A_223, %mul3A_266 : i32
      %dma_start3A_268 = arith.constant 1 : i32
      %dma_start3A_269 = arith.constant 0 : i32
      %dma_start3A_270 = arith.constant 0 : i32
      %dma_start3A_271 = arith.constant 0 : i32
      %dma_start3A_272 = arith.constant 0 : i32
      %dma_start3A_273 = tpu.memref_slice %arg7[%dma_start3A_268, %dma_start3A_269, %dma_start3A_270, %dma_start3A_271, %dma_start3A_272] : memref<2x2x8x8x129xf32, #tpu.memory_space<vmem>> -> memref<1x2x8x8x128xf32, #tpu.memory_space<vmem>>
      %dma_start3A_274 = tpu.memref_squeeze %dma_start3A_273 : memref<1x2x8x8x128xf32, #tpu.memory_space<vmem>> -> memref<2x8x8x128xf32, #tpu.memory_space<vmem>>
      %dma_start3A_275 = arith.constant 0 : i32
      %dma_start3A_276 = arith.constant 0 : i32
      %dma_start3A_277 = arith.constant 0 : i32
      %dma_start3A_278 = tpu.memref_slice %arg4[%mul3A_267, %dma_start3A_275, %add3A, %dma_start3A_276, %dma_start3A_277] : memref<200x8x32x8x128xf32, #tpu.memory_space<hbm>> -> memref<2x8x1x8x128xf32, #tpu.memory_space<hbm>>
      %dma_start3A_279 = tpu.memref_squeeze %dma_start3A_278 : memref<2x8x1x8x128xf32, #tpu.memory_space<hbm>> -> memref<2x8x8x128xf32, #tpu.memory_space<hbm>>
      %dma_start3A_280 = arith.constant 0 : i32
      %dma_start3A_281 = arith.constant 0 : i32
      %dma_start3A_282 = arith.constant 0 : i32
      %dma_start3A_283 = tpu.memref_slice %arg4[%mul3A_267, %dma_start3A_280, %add3A, %dma_start3A_281, %dma_start3A_282] : memref<200x8x32x8x128xf32, #tpu.memory_space<hbm>> -> memref<2x8x1x8x128xf32, #tpu.memory_space<hbm>>
      %dma_start3A_284 = tpu.memref_squeeze %dma_start3A_283 : memref<2x8x1x8x128xf32, #tpu.memory_space<hbm>> -> memref<2x8x8x128xf32, #tpu.memory_space<hbm>>
      %dma_start3A_285 = arith.constant 0 : i32
      %dma_start3A_286 = arith.constant 0 : i32
      %dma_start3A_287 = arith.constant 0 : i32
      %dma_start3A_288 = arith.constant 0 : i32
      %dma_start3A_289 = tpu.memref_slice %arg7[%dma_start3A_268, %dma_start3A_285, %dma_start3A_286, %dma_start3A_287, %dma_start3A_288] : memref<2x2x8x8x129xf32, #tpu.memory_space<vmem>> -> memref<1x2x8x8x128xf32, #tpu.memory_space<vmem>>
      %dma_start3A_290 = tpu.memref_squeeze %dma_start3A_289 : memref<1x2x8x8x128xf32, #tpu.memory_space<vmem>> -> memref<2x8x8x128xf32, #tpu.memory_space<vmem>>
      tpu.enqueue_dma source(%dma_start3A_290 : memref<2x8x8x128xf32, #tpu.memory_space<vmem>>) target(%dma_start3A_284 : memref<2x8x8x128xf32, #tpu.memory_space<hbm>>) target_semaphore(%arg11 : memref<!tpu.dma_semaphore, #tpu.memory_space<semaphore_mem>>)
    }
    %scan3A_105 = arith.constant 50 : i32
    %dma_wait3A = arith.constant 0 : i32
    %dma_wait3A_106 = arith.constant 0 : i32
    %dma_wait3A_107 = arith.constant 0 : i32
    %dma_wait3A_108 = arith.constant 0 : i32
    %dma_wait3A_109 = arith.constant 0 : i32
    %dma_wait3A_110 = tpu.memref_slice %arg7[%dma_wait3A, %dma_wait3A_106, %dma_wait3A_107, %dma_wait3A_108, %dma_wait3A_109] : memref<2x2x8x8x129xf32, #tpu.memory_space<vmem>> -> memref<1x2x8x8x128xf32, #tpu.memory_space<vmem>>
    %dma_wait3A_111 = tpu.memref_squeeze %dma_wait3A_110 : memref<1x2x8x8x128xf32, #tpu.memory_space<vmem>> -> memref<2x8x8x128xf32, #tpu.memory_space<vmem>>
    %dma_wait3A_112 = arith.constant 0 : i32
    %dma_wait3A_113 = arith.constant 0 : i32
    %dma_wait3A_114 = arith.constant 0 : i32
    %dma_wait3A_115 = arith.constant 0 : i32
    %dma_wait3A_116 = tpu.memref_slice %arg4[%dma_wait3A_112, %dma_wait3A_113, %add3A, %dma_wait3A_114, %dma_wait3A_115] : memref<200x8x32x8x128xf32, #tpu.memory_space<hbm>> -> memref<2x8x1x8x128xf32, #tpu.memory_space<hbm>>
    %dma_wait3A_117 = tpu.memref_squeeze %dma_wait3A_116 : memref<2x8x1x8x128xf32, #tpu.memory_space<hbm>> -> memref<2x8x8x128xf32, #tpu.memory_space<hbm>>
    %dma_wait3A_118 = arith.constant 0 : i32
    %dma_wait3A_119 = arith.constant 0 : i32
    %dma_wait3A_120 = arith.constant 0 : i32
    %dma_wait3A_121 = arith.constant 0 : i32
    %dma_wait3A_122 = tpu.memref_slice %arg4[%dma_wait3A_118, %dma_wait3A_119, %add3A, %dma_wait3A_120, %dma_wait3A_121] : memref<200x8x32x8x128xf32, #tpu.memory_space<hbm>> -> memref<2x8x1x8x128xf32, #tpu.memory_space<hbm>>
    %dma_wait3A_123 = tpu.memref_squeeze %dma_wait3A_122 : memref<2x8x1x8x128xf32, #tpu.memory_space<hbm>> -> memref<2x8x8x128xf32, #tpu.memory_space<hbm>>
    %dma_wait3A_124 = arith.constant 0 : i32
    %dma_wait3A_125 = arith.constant 0 : i32
    %dma_wait3A_126 = arith.constant 0 : i32
    %dma_wait3A_127 = arith.constant 0 : i32
    %dma_wait3A_128 = tpu.memref_slice %arg7[%dma_wait3A, %dma_wait3A_124, %dma_wait3A_125, %dma_wait3A_126, %dma_wait3A_127] : memref<2x2x8x8x129xf32, #tpu.memory_space<vmem>> -> memref<1x2x8x8x128xf32, #tpu.memory_space<vmem>>
    %dma_wait3A_129 = tpu.memref_squeeze %dma_wait3A_128 : memref<1x2x8x8x128xf32, #tpu.memory_space<vmem>> -> memref<2x8x8x128xf32, #tpu.memory_space<vmem>>
    tpu.wait_dma2 semaphore(%arg10 : memref<!tpu.dma_semaphore, #tpu.memory_space<semaphore_mem>>) src(%dma_wait3A_129 : memref<2x8x8x128xf32, #tpu.memory_space<vmem>>) dst(%dma_wait3A_123 : memref<2x8x8x128xf32, #tpu.memory_space<hbm>>)
    %dma_wait3A_130 = arith.constant 1 : i32
    %dma_wait3A_131 = arith.constant 0 : i32
    %dma_wait3A_132 = arith.constant 0 : i32
    %dma_wait3A_133 = arith.constant 0 : i32
    %dma_wait3A_134 = arith.constant 0 : i32
    %dma_wait3A_135 = tpu.memref_slice %arg7[%dma_wait3A_130, %dma_wait3A_131, %dma_wait3A_132, %dma_wait3A_133, %dma_wait3A_134] : memref<2x2x8x8x129xf32, #tpu.memory_space<vmem>> -> memref<1x2x8x8x128xf32, #tpu.memory_space<vmem>>
    %dma_wait3A_136 = tpu.memref_squeeze %dma_wait3A_135 : memref<1x2x8x8x128xf32, #tpu.memory_space<vmem>> -> memref<2x8x8x128xf32, #tpu.memory_space<vmem>>
    %dma_wait3A_137 = arith.constant 0 : i32
    %dma_wait3A_138 = arith.constant 0 : i32
    %dma_wait3A_139 = arith.constant 0 : i32
    %dma_wait3A_140 = arith.constant 0 : i32
    %dma_wait3A_141 = tpu.memref_slice %arg4[%dma_wait3A_137, %dma_wait3A_138, %add3A, %dma_wait3A_139, %dma_wait3A_140] : memref<200x8x32x8x128xf32, #tpu.memory_space<hbm>> -> memref<2x8x1x8x128xf32, #tpu.memory_space<hbm>>
    %dma_wait3A_142 = tpu.memref_squeeze %dma_wait3A_141 : memref<2x8x1x8x128xf32, #tpu.memory_space<hbm>> -> memref<2x8x8x128xf32, #tpu.memory_space<hbm>>
    %dma_wait3A_143 = arith.constant 0 : i32
    %dma_wait3A_144 = arith.constant 0 : i32
    %dma_wait3A_145 = arith.constant 0 : i32
    %dma_wait3A_146 = arith.constant 0 : i32
    %dma_wait3A_147 = tpu.memref_slice %arg4[%dma_wait3A_143, %dma_wait3A_144, %add3A, %dma_wait3A_145, %dma_wait3A_146] : memref<200x8x32x8x128xf32, #tpu.memory_space<hbm>> -> memref<2x8x1x8x128xf32, #tpu.memory_space<hbm>>
    %dma_wait3A_148 = tpu.memref_squeeze %dma_wait3A_147 : memref<2x8x1x8x128xf32, #tpu.memory_space<hbm>> -> memref<2x8x8x128xf32, #tpu.memory_space<hbm>>
    %dma_wait3A_149 = arith.constant 0 : i32
    %dma_wait3A_150 = arith.constant 0 : i32
    %dma_wait3A_151 = arith.constant 0 : i32
    %dma_wait3A_152 = arith.constant 0 : i32
    %dma_wait3A_153 = tpu.memref_slice %arg7[%dma_wait3A_130, %dma_wait3A_149, %dma_wait3A_150, %dma_wait3A_151, %dma_wait3A_152] : memref<2x2x8x8x129xf32, #tpu.memory_space<vmem>> -> memref<1x2x8x8x128xf32, #tpu.memory_space<vmem>>
    %dma_wait3A_154 = tpu.memref_squeeze %dma_wait3A_153 : memref<1x2x8x8x128xf32, #tpu.memory_space<vmem>> -> memref<2x8x8x128xf32, #tpu.memory_space<vmem>>
    tpu.wait_dma2 semaphore(%arg11 : memref<!tpu.dma_semaphore, #tpu.memory_space<semaphore_mem>>) src(%dma_wait3A_154 : memref<2x8x8x128xf32, #tpu.memory_space<vmem>>) dst(%dma_wait3A_148 : memref<2x8x8x128xf32, #tpu.memory_space<hbm>>)
    return
  }
}

</mosaic_0001>

<sc_bundles>
// kernel: kernel.3.cloned.1.call-start
scs
__scs_entry_jumppad:
0x0: {  	(pc) =	sbr.rel $0x88, $3  }
0x1: {  	(tag) =	ssettag $0x0;
	lr =	simm.s32 $0x1  }
0x2: {  	[smem:$0x3F9F] =	sst lr;
	_ =	strace $0xD0000000  }
0x3: {  	_ = 	snop  }
0x4: {  	_ = 	snop  }
0x5: {  	_ = 	snop  }
0x6: {  	_ = 	snop  }
0x7: {  	_ = 	snop  }
__scs_overlays_trampoline_lowered:
0x8: {  	[smem:$0x3FAE] =	sst s0  }
0x9: {  	[smem:$0x3FAF] =	sst s1  }
0xa: {  	[smem:$0x3FB0] =	sst s2  }
0xb: {  	[smem:$0x3FB1] =	sst s3  }
0xc: {  	[smem:$0x3FB2] =	sst s4  }
0xd: {  	[smem:$0x3FB3] =	sst s5  }
0xe: {  	[smem:$0x3FB4] =	sst s6  }
0xf: {  	[smem:$0x3FB5] =	sst s7  }
0x10: {  	[smem:$0x3FB6] =	sst s8  }
0x11: {  	[smem:$0x3FB7] =	sst s9;
	s0 =	simm.s32 @!p0 $0x0  }
0x12: {  	s1 =	sld [smem:$0x3F9D];
	s0 =	simm.s32 @p0 $0x1  }
0x13: {  	[smem:$0x3FB8] =	sst s0;
	s0 =	simm.s32 @!p1 $0x0  }
0x14: {  	s2 =	sld [smem:$0x3F9C];
	s0 =	simm.s32 @p1 $0x1  }
0x15: {  	[smem:$0x3FB9] =	sst s0;
	s0 =	simm.s32 @!p2 $0x0  }
0x16: {  	s3 =	sld [smem:$0x3FDB];
	s0 =	simm.s32 @p2 $0x1  }
0x17: {  	s4 =	simm.s32 $0x1BF5;
	[smem:$0x3FBB] =	sst s0  }
0x18: {  	s0 =	sld [smem:$0x3F9E];
	_ =	swait.ge [sflag:s4], $0x0  }
0x19: {  	s7 =	sld [smem:$0x3F9F]  }
0x1a: {  	s8 =	sadd.s32 $0xFFFFE003, lr  }
0x1b: {  	s9 =	sadd.s32 $0xFFFFFEF7, lr;
	s5 =	simm.s32 $0xFFFFFFFF;
	p2 =	slt.u32 s8, $0xFFFFF086  }
0x1c: {  	p1 =	slt.u32 s9, $0xF7A;
	s5 =	simm.s32 @!p2 $0x0  }
0x1d: {  	s5 =	simm.s32 @p1 $0x1;
	p0 =	seq.s32 s7, s2  }
0x1e: {  	s7 =	smul.u32 @!p0 $0xF7A, s2;
	p2 =	seq.s32 @!p0 s5, $0x0  }
0x1f: {  	s9 =	smul.u32 $0xF7A, s1;
	s8 =	simm.s32 @!p0 $0x1BF5;
	p2 =	por !p2, p0  }
0x20: {  	[sflag:s8] =	ssyncset.s32 @!p0 $0xFFFFF086;
	s6 =	sadd.s32 @!p0 s3, s7;
	s7 =	simm.s32 @!p0 $0x108  }
0x21: {  	s3 =	sadd.s32 s3, s9;
	s6 =	sadd.s32 @!p0 $0x88, s6;
	s7 =	simm.s32 @p2 $0x1082  }
0x22: {  	[simem:s7], [sflag:s8] =	dma.local @!p0 [hbm:s6], $0xF7A  }
0x23: {  	s9 =	sor.u32 $0xD0000000, s2;
	s6 =	simm.s32 $0x108;
	_ =	swait.ge @!p0 [sflag:s8], $0x0  }
0x24: {  	s3 =	sadd.s32 $0x88, s3;
	s6 =	simm.s32 @!p1 $0x1082;
	[sflag:s4] =	ssyncset.s32 $0xFFFFF086  }
0x25: {  	[simem:s6], [sflag:s4] =	dma.local [hbm:s3], $0xF7A  }
0x26: {  	[smem:$0x3F9F] =	sst s1;
	(tag) =	ssettag s2;
	_ =	strace s9  }
0x27: {  	s1 =	sld [smem:$0x3FAF]  }
0x28: {  	s2 =	sld [smem:$0x3FB0]  }
0x29: {  	s4 =	sld [smem:$0x3FB2]  }
0x2a: {  	p0 =	seq.s32 s5, $0x0;
	s5 =	sld [smem:$0x3FB3]  }
0x2b: {  	s6 =	sld [smem:$0x3FB4]  }
0x2c: {  	s7 =	sld [smem:$0x3FB5]  }
0x2d: {  	s3 =	simm.s32 $0x108;
	s8 =	sld [smem:$0x3FB6]  }
0x2e: {  	s3 =	simm.s32 @!p0 $0x1082;
	s9 =	sld [smem:$0x3FB7]  }
0x2f: {  	lr =	sadd.s32 s0, s3;
	s0 =	sld [smem:$0x3FAE]  }
0x30: {  	s3 =	sld [smem:$0x3FB1]  }
0x31: {  	[smem:$0x3FBA] =	sst s10  }
0x32: {  	s10 =	sld [smem:$0x3FB8];
	_ =	sdelay $0x3  }
0x33: {  	p0 =	seq.s32 s10, $0x1;
	s10 =	sld [smem:$0x3FBA];
	_ =	sdelay $0x3  }
0x34: {  	[smem:$0x3FBA] =	sst s10  }
0x35: {  	s10 =	sld [smem:$0x3FB9];
	_ =	sdelay $0x3  }
0x36: {  	p1 =	seq.s32 s10, $0x1;
	s10 =	sld [smem:$0x3FBA];
	_ =	sdelay $0x3  }
0x37: {  	[smem:$0x3FBA] =	sst s10  }
0x38: {  	s10 =	sld [smem:$0x3FBB]  }
0x39: {  	_ = 	snop;
	(pc) =	sbr.ind lr, $3  }
0x3a: {  	_ = 	snop  }
0x3b: {  	_ = 	snop  }
0x3c: {  	p2 =	seq.s32 s10, $0x1;
	s10 =	sld [smem:$0x3FBA]  }
0x3d: {  	_ =	shalt  }
0x3e: {  	_ =	shalt  }
0x3f: {  	_ =	shalt  }
0x40: {  	_ =	shalt  }
0x41: {  	_ =	shalt  }
0x42: {  	_ =	shalt  }
0x43: {  	_ =	shalt  }
0x44: {  	_ =	shalt  }
0x45: {  	_ =	shalt  }
0x46: {  	_ =	shalt  }
0x47: {  	_ =	shalt  }
0x48: {  	_ =	shalt  }
0x49: {  	_ =	shalt  }
0x4a: {  	_ =	shalt  }
0x4b: {  	_ =	shalt  }
0x4c: {  	_ =	shalt  }
0x4d: {  	_ =	shalt  }
0x4e: {  	_ =	shalt  }
0x4f: {  	_ =	shalt  }
0x50: {  	_ =	shalt  }
0x51: {  	_ =	shalt  }
0x52: {  	_ =	shalt  }
0x53: {  	_ =	shalt  }
0x54: {  	_ =	shalt  }
0x55: {  	_ =	shalt  }
0x56: {  	_ =	shalt  }
0x57: {  	_ =	shalt  }
0x58: {  	_ =	shalt  }
0x59: {  	_ =	shalt  }
0x5a: {  	_ =	shalt  }
0x5b: {  	_ =	shalt  }
0x5c: {  	_ =	shalt  }
0x5d: {  	_ =	shalt  }
0x5e: {  	_ =	shalt  }
0x5f: {  	_ =	shalt  }
0x60: {  	_ =	shalt  }
0x61: {  	_ =	shalt  }
0x62: {  	_ =	shalt  }
0x63: {  	_ =	shalt  }
0x64: {  	_ =	shalt  }
0x65: {  	_ =	shalt  }
0x66: {  	_ =	shalt  }
0x67: {  	_ =	shalt  }
0x68: {  	_ =	shalt  }
0x69: {  	_ =	shalt  }
0x6a: {  	_ =	shalt  }
0x6b: {  	_ =	shalt  }
0x6c: {  	_ =	shalt  }
0x6d: {  	_ =	shalt  }
0x6e: {  	_ =	shalt  }
0x6f: {  	_ =	shalt  }
0x70: {  	_ =	shalt  }
0x71: {  	_ =	shalt  }
0x72: {  	_ =	shalt  }
0x73: {  	_ =	shalt  }
0x74: {  	_ =	shalt  }
0x75: {  	_ =	shalt  }
0x76: {  	_ =	shalt  }
0x77: {  	_ =	shalt  }
0x78: {  	_ =	shalt  }
0x79: {  	_ =	shalt  }
0x7a: {  	_ =	shalt  }
0x7b: {  	_ =	shalt  }
0x7c: {  	_ =	shalt  }
0x7d: {  	_ =	shalt  }
0x7e: {  	_ =	shalt  }
0x7f: {  	_ =	shalt  }
0x80: {  	_ =	shalt  }
0x81: {  	_ =	shalt  }
0x82: {  	_ =	shalt  }
0x83: {  	_ =	shalt  }
0x84: {  	_ =	shalt  }
0x85: {  	_ =	shalt  }
0x86: {  	_ =	shalt  }
0x87: {  	_ =	shalt  }
.Lfunc_end0:
.L_simem_size_0:
called_computation_lowered:
.L_overlay_start_0:
0x88: {  	s2 =	sld [smem:$0x3FD9]  }
0x89: {  	s3 =	sld [smem:$0x3FFE];
	_ =	sdelay $0x1  }
0x8a: {  	s1 =	srdreg.scid  }
0x8b: {  	s0 =	sand.u32 $0x1, s1  }
0x8c: {  	s17 =	sshll.u32 s0, $0xA;
	s2 =	sadd.s32 s3, s2  }
0x8d: {  	s2 =	sadd.s32 s2, s17  }
0x8e: {  	[smem:$0x3FC6] =	sst s2  }
0x8f: {  	_ = 	snop  }
0x90: {  	s2 =	sld [smem:$0x3FD0];
	(tm) =	ssettm $0x1  }
0x91: {  	s18 =	sld [smem:$0x3FFB];
	_ =	sdelay $0x3  }
0x92: {  	_ =	strace s18  }
0x93: {  	s3 =	sld [smem:$0x3FFC];
	_ =	sdelay $0x3  }
0x94: {  	_ =	strace s3  }
0x95: {  	s3 =	sld [smem:$0x3FFD];
	_ =	sdelay $0x3  }
0x96: {  	_ =	strace s3  }
0x97: {  	_ =	strace $0x8FFFFFFF  }
0x98: {  	s19 =	sld [smem:$0x3FDB];
	_ =	sdelay $0x1  }
0x99: {  	s4 =	simm.s32 $_scs_section_size  }
0x9a: {  	s5 =	simm.s32 $_size__tile_overlayer_lowered;
	s6 =	simm.s32 $_tile_overlayer_lowered  }
0x9b: {  	s22 =	simm.s32 $0x1BFF;
	s21 =	sshll.u32 s6, $0x1;
	s3 =	sadd.s32 s4, s19  }
0x9c: {  	s7 =	simm.s32 $0x0;
	s20 =	sshll.u32 s5, $0x1;
	s5 =	sadd.s32 s21, s3  }
0x9d: {  	[timem:s7], [sflag:s22] =	dma.local [hbm:s5], s20  }
0x9e: {  	_ =	swait.ge [sflag:s22], s20  }
0x9f: {  	s4 =	ssub.s32 $0x0, s20;
	[sflag:s22] =	ssyncset.done $0x0  }
0xa0: {  	[sflag:s22] =	ssyncadd.s32 s4;
	_ =	sdelay $0x1  }
0xa1: {  	s23 =	simm.s32 $0x1B8B  }
0xa2: {  	_ =	swait.ge [sflag:s23], $0x1  }
0xa3: {  	[sflag:s23] =	ssyncset.done $0x0  }
0xa4: {  	s25 =	simm.s32 $0x1B8E;
	s24 =	sld [smem:$0x3FFE];
	[sflag:s23] =	ssyncadd.s32 $0xFFFFFFFF  }
0xa5: {  	s26 =	simm.s32 $execute0_lowered;
	[smem:$0x3FD2] =	sst s25  }
0xa6: {  	s5 =	sshll.u32 s26, $0x1;
	_ =	strace $0x80000046;
	[dreg:$0x1] =	wrdreg $0xFFFFFFFF  }
0xa7: {  	s28 =	simm.s32 $_size_execute0_lowered;
	s3 =	sadd.s32 s3, s5;
	[dreg:$0x0] =	wrdreg $0x0  }
0xa8: {  	s5 =	sshll.u32 s28, $0x1;
	[dreg:$0x2] =	wrdreg s3  }
0xa9: {  	[dreg:$0x3] =	wrdreg s5  }
0xaa: {  	[dreg:$0x4] =	wrdreg $0xC0  }
0xab: {  	_ =	task [dreg:s7], $0x5FFFF  }
0xac: {  	[dreg:$0x1] =	wrdreg $0xFFFFFFFF  }
0xad: {  	[dreg:$0x0] =	wrdreg $0x60  }
0xae: {  	[dreg:$0x2] =	wrdreg s24  }
0xaf: {  	[dreg:$0x3] =	wrdreg s2  }
0xb0: {  	[dreg:$0x4] =	wrdreg $0x9  }
0xb1: {  	_ =	task.clear_ibuf [dreg:s7], $0x5FFFF;
	_ =	strace $0x90000046  }
0xb2: {  	s29 =	simm.s32 $0x9;
	_ =	strace $0x80000048  }
0xb3: {  	_ =	swait.ge [sflag:s29], $0x1  }
0xb4: {  	[sflag:s29] =	ssyncadd.s32 $0xFFFFFFFF  }
0xb5: {  	_ =	strace $0x90000048  }
0xb6: {  	_ =	sfence  }
0xb7: {  	s30 =	sld [smem:$0x0];
	_ =	sdelay $0x2  }
0xb8: {  	s31 =	sshll.u32 s1, $0xD;
	s1 =	sshrl.u32 s1, $0x2  }
0xb9: {  	s3 =	sand.u32 $0x4000, s31;
	s1 =	sadd.s32 s1, s30  }
0xba: {  	s0 =	sor.u32 s3, s0;
	s1 =	sshll.u32 s1, $0x11  }
0xbb: {  	s0 =	sor.u32 s1, s0  }
0xbc: {  	s0 =	sadd.s32 $0x8F2B, s0  }
0xbd: {  	[sflag:s0] =	ssyncadd.remote.s32 $0x1  }
0xbe: {  	_ =	sfence.sel $0xFFFF  }
0xbf: {  	[dreg:$0x0] =	wrdreg $0xFFFFFFFF;
	(pc) =	sbr.abs _section_cstart, $3  }
0xc0: {  	[dreg:$0x1] =	wrdreg $0xFFFFFFFF  }
0xc1: {  	_ =	task.clear_ibuf [dreg:s7], $0x2FFFF;
	_ =	strace $0x9FFFFFFF  }
0xc2: {  	(tm) =	ssettm $0x7FFFFFFF  }
0xc3: {  	_ =	shalt  }
tec
execute0_lowered:
.L_overlay_start_1:
0x0: {  	(tag) =	ssettag $0x1  }
0x1: {  	s4 =	rddreg [dreg:$0x0]  }
0x2: {  	s2 =	rddreg [dreg:$0x1]  }
0x3: {  	s0 =	rddreg [dreg:$0x2];
	s5 =	srdreg.scid  }
0x4: {  	s1 =	stileid.u32;
	s3 =	simm.s32 $0x0;
	s9 =	simm.s32 $0x1000  }
0x5: {  	s10 =	simm.s32 $0x5;
	s11 =	simm.s32 $0x6400;
	s12 =	simm.s32 $0x8400  }
0x6: {  	s13 =	simm.s32 $0x1;
	s14 =	simm.s32 $0xA400;
	s15 =	simm.s32 $0xC400  }
0x7: {  	s16 =	simm.s32 $0xE400;
	s17 =	simm.s32 $0x2;
	s18 =	simm.s32 $0x12800  }
0x8: {  	v0 =	vlaneseq.u32;
	s19 =	simm.s32 $0x3;
	s20 =	simm.s32 $0x4;
	s21 =	simm.s32 $0x0  }
0x9: {  	s5 =	sand.u32 $0x1, s5;
	s6 =	sshll.u32 s1, $0x1;
	[smem:$0x7FF] =	sst s3;
	v0 =	vmul.u32 $0x88, v0  }
0xa: {  	s6 =	sor.u32 s5, s6;
	_ =	strace $0x80000047;
	s5 =	ssub.s32 $0x2, s5  }
0xb: {  	s7 =	sshll.u32 s6, $0x4;
	s8 =	sshrl.u32 s5, $0x1;
	s6 =	sshll.u32 s6, $0xA;
	v1 =	vadd.s32 $0x880, v0  }
0xc: {  	v2 =	vadd.s32 $0x1100, v0;
	v3 =	vadd.s32 $0x1980, v0;
	v4 =	vadd.s32 $0x2200, v0;
	s7 =	sadd.s32 s7, s4;
	s4 =	sadd.s32 $0xF42C00, s4;
	s8 =	ssub.s32 s5, s8  }
0xd: {  	v5 =	vadd.s32 $0x2A80, v0;
	v6 =	vadd.s32 $0x3300, v0;
	v7 =	vadd.s32 $0x3B80, v0;
	s5 =	sadd.s32 $0x600, s7;
	s7 =	smax.u32 s8, $0x1;
	s8 =	simm.s32 $0x80  }
.LBB2_1:
0xe: {  	[tilespmem:s3], [sflag:$0x5] =	stream.strided.gather [hbm4b:s5+s8], $0x6400, s9, s8, $0x38;
	[tilespmem:$0x16C00] =	vst v63  }
0xf: {  	_ =	swait.ge [sflag:s10], $0x6400  }
0x10: {  	[sflag:s10] =	ssyncset.done $0x0  }
0x11: {  	[sflag:s10] =	ssyncadd.s32 $0xFFFF9C00  }
0x12: {  	[tilespmem:s11], [sflag:$0x1] =	stream.indirect.gather [hbm4b:s4+s8], $0x40, s3, s8, $0xb8;
	[tilespmem:$0x16C00] =	vst v63  }
0x13: {  	s22 =	simm.s32 $0x0  }
0x14: {  	[tilespmem:s12], [sflag:$0x1] =	stream.indirect.gather [hbm4b:s4+s8], $0x40, s8, s8, $0xb8;
	[tilespmem:$0x16C00] =	vst v63  }
.LBB2_2:
0x15: {  	_ =	swait.ge [sflag:s13], $0x2000  }
0x16: {  	[sflag:s13] =	ssyncset.done $0x0  }
0x17: {  	[sflag:s13] =	ssyncadd.s32 $0xFFFFE000  }
0x18: {  	s23 =	sshllo.u32 s22, $0x1;
	_ =	swait.ge [sflag:s13], $0x2000  }
0x19: {  	s24 =	sshll.u32 s23, $0x8;
	[sflag:s13] =	ssyncset.done $0x0  }
0x1a: {  	s24 =	sand.u32 $0x3FFFFF00, s24;
	[sflag:s13] =	ssyncadd.s32 $0xFFFFE000  }
0x1b: {  	[tilespmem:s14], [sflag:$0x2] =	stream.indirect.gather [hbm4b:s4+s8], $0x40, s24, s8, $0xb8;
	[tilespmem:$0x16C00] =	vst v63  }
0x1c: {  	p0 =	seq.s32 s22, $0x0;
	s24 =	sor.u32 $0x80, s24  }
0x1d: {  	[tilespmem:s15], [sflag:$0x2] =	stream.indirect.gather [hbm4b:s4+s8], $0x40, s24, s8, $0xb8;
	[tilespmem:$0x16C00] =	vst v63  }
0x1e: {  	s24 =	simm.s32 @!p0 $0x3  }
0x1f: {  	s25 =	simm.s32 $0x1;
	_ =	swait.ge @!p0 [sflag:s24], $0x4000  }
0x20: {  	s26 =	simm.s32 $0x0;
	v8 =	vmov s25;
	[sflag:s24] =	ssyncset.done @!p0 $0x0  }
0x21: {  	s25 =	simm.s32 $0x8400;
	v9 =	vmov s26;
	v14 =	vand.u32 $0x7F, v8;
	[sflag:s24] =	ssyncadd.s32 @!p0 $0xFFFFC000  }
0x22: {  	v18 =	vand.u32 $0x7E, v9;
	v9 =	vadd.s32 v0, v14;
	v8 =	vld [tilespmem:s25+$0xFFFFE040]  }
0x23: {  	v11 =	vadd.s32 v0, v18;
	v10 =	vld [tilespmem:s25+$0xFFFFE000];
	_ =	sdelay $0x3  }
0x24: {  	[tilespmem:v9+s16+$0x0] =	vst.idx.msk $0xffff, v8  }
0x25: {  	[tilespmem:v11+s16+$0x0] =	vst.idx.msk $0xffff, v10;
	v9 =	vadd.s32 v1, v14;
	v8 =	vld [tilespmem:s25+$0xFFFFE050]  }
0x26: {  	v11 =	vadd.s32 v1, v18;
	v10 =	vld [tilespmem:s25+$0xFFFFE010];
	_ =	sdelay $0x3  }
0x27: {  	[tilespmem:v9+s16+$0x0] =	vst.idx.msk $0xffff, v8  }
0x28: {  	[tilespmem:v11+s16+$0x0] =	vst.idx.msk $0xffff, v10;
	v11 =	vadd.s32 v2, v14;
	v10 =	vld [tilespmem:s25+$0xFFFFE060]  }
0x29: {  	s26 =	simm.s32 $0x3;
	v13 =	vadd.s32 v2, v18;
	v12 =	vld [tilespmem:s25+$0xFFFFE020]  }
0x2a: {  	s31 =	simm.s32 $0x2;
	v8 =	vmov s26  }
0x2b: {  	s24 =	simm.s32 $0x8480;
	v9 =	vmov s31;
	v8 =	vand.u32 $0x7F, v8  }
0x2c: {  	v15 =	vld [tilespmem:s24+$0xFFFFE040];
	v9 =	vand.u32 $0x7E, v9;
	v16 =	vadd.s32 v0, v8  }
0x2d: {  	v17 =	vld [tilespmem:s24+$0xFFFFE000];
	v19 =	vadd.s32 v0, v9;
	[tilespmem:v11+s16+$0x0] =	vst.idx.msk $0xffff, v10  }
0x2e: {  	[tilespmem:v13+s16+$0x0] =	vst.idx.msk $0xffff, v12;
	v11 =	vadd.s32 v3, v14;
	v10 =	vld [tilespmem:s25+$0xFFFFE070]  }
0x2f: {  	v13 =	vadd.s32 v3, v18;
	v12 =	vld [tilespmem:s25+$0xFFFFE030];
	_ =	sdelay $0x1  }
0x30: {  	[tilespmem:v16+s16+$0x0] =	vst.idx.msk $0xffff, v15  }
0x31: {  	[tilespmem:v19+s16+$0x0] =	vst.idx.msk $0xffff, v17;
	v16 =	vadd.s32 v1, v8;
	v15 =	vld [tilespmem:s24+$0xFFFFE050]  }
0x32: {  	v19 =	vadd.s32 v1, v9;
	v17 =	vld [tilespmem:s24+$0xFFFFE010];
	[tilespmem:v11+s16+$0x0] =	vst.idx.msk $0xffff, v10  }
0x33: {  	[tilespmem:v13+s16+$0x0] =	vst.idx.msk $0xffff, v12;
	v11 =	vadd.s32 v4, v14;
	v10 =	vld [tilespmem:s25+$0x40]  }
0x34: {  	v13 =	vadd.s32 v4, v18;
	v12 =	vld [tilespmem:s25+$0x0];
	_ =	sdelay $0x1  }
0x35: {  	[tilespmem:v16+s16+$0x0] =	vst.idx.msk $0xffff, v15  }
0x36: {  	[tilespmem:v19+s16+$0x0] =	vst.idx.msk $0xffff, v17;
	v16 =	vadd.s32 v2, v8;
	v15 =	vld [tilespmem:s24+$0xFFFFE060]  }
0x37: {  	s31 =	simm.s32 $0x5;
	v19 =	vadd.s32 v2, v9;
	v17 =	vld [tilespmem:s24+$0xFFFFE020];
	[tilespmem:v11+s16+$0x0] =	vst.idx.msk $0xffff, v10  }
0x38: {  	s28 =	simm.s32 $0x4;
	v10 =	vmov s31;
	[tilespmem:v13+s16+$0x0] =	vst.idx.msk $0xffff, v12;
	v13 =	vadd.s32 v5, v14;
	v12 =	vld [tilespmem:s25+$0x50]  }
0x39: {  	v21 =	vadd.s32 v5, v18;
	s26 =	simm.s32 $0x8500;
	v11 =	vmov s28;
	v10 =	vand.u32 $0x7F, v10;
	v20 =	vld [tilespmem:s25+$0x10]  }
0x3a: {  	v22 =	vld [tilespmem:s26+$0xFFFFE040];
	v11 =	vand.u32 $0x7E, v11;
	v23 =	vadd.s32 v0, v10  }
0x3b: {  	v24 =	vld [tilespmem:s26+$0xFFFFE000];
	[tilespmem:v16+s16+$0x0] =	vst.idx.msk $0xffff, v15;
	v25 =	vadd.s32 v0, v11  }
0x3c: {  	[tilespmem:v19+s16+$0x0] =	vst.idx.msk $0xffff, v17;
	v16 =	vadd.s32 v3, v8;
	v15 =	vld [tilespmem:s24+$0xFFFFE070]  }
0x3d: {  	v19 =	vadd.s32 v3, v9;
	v17 =	vld [tilespmem:s24+$0xFFFFE030];
	[tilespmem:v13+s16+$0x0] =	vst.idx.msk $0xffff, v12  }
0x3e: {  	[tilespmem:v21+s16+$0x0] =	vst.idx.msk $0xffff, v20;
	v13 =	vadd.s32 v6, v14;
	v12 =	vld [tilespmem:s25+$0x60]  }
0x3f: {  	v21 =	vadd.s32 v6, v18;
	[tilespmem:v23+s16+$0x0] =	vst.idx.msk $0xffff, v22;
	v20 =	vld [tilespmem:s25+$0x20]  }
0x40: {  	[tilespmem:v25+s16+$0x0] =	vst.idx.msk $0xffff, v24;
	v23 =	vadd.s32 v1, v10;
	v22 =	vld [tilespmem:s26+$0xFFFFE050]  }
0x41: {  	v63 =	vadd.s32 v1, v11;
	[tilespmem:v16+s16+$0x0] =	vst.idx.msk $0xffff, v15;
	v24 =	vld [tilespmem:s26+$0xFFFFE010]  }
0x42: {  	v27 =	vadd.s32 v4, v8;
	[tilespmem:v19+s16+$0x0] =	vst.idx.msk $0xffff, v17;
	v26 =	vld [tilespmem:s24+$0x40]  }
0x43: {  	v17 =	vadd.s32 v4, v9;
	v16 =	vld [tilespmem:s24+$0x0];
	[tilespmem:v13+s16+$0x0] =	vst.idx.msk $0xffff, v12  }
0x44: {  	v15 =	vadd.s32 v7, v14;
	[tilespmem:v21+s16+$0x0] =	vst.idx.msk $0xffff, v20;
	v13 =	vld [tilespmem:s25+$0x70]  }
0x45: {  	v14 =	vadd.s32 v7, v18;
	[tilespmem:v23+s16+$0x0] =	vst.idx.msk $0xffff, v22;
	v12 =	vld [tilespmem:s25+$0x30]  }
0x46: {  	s30 =	simm.s32 $0x7;
	v19 =	vadd.s32 v2, v10;
	[tilespmem:v63+s16+$0x0] =	vst.idx.msk $0xffff, v24;
	v18 =	vld [tilespmem:s26+$0xFFFFE060]  }
0x47: {  	s29 =	simm.s32 $0x8;
	s28 =	simm.s32 $0x6;
	v21 =	vadd.s32 v2, v11;
	[tilespmem:v27+s16+$0x0] =	vst.idx.msk $0xffff, v26;
	s25 =	simm.s32 $0x8500;
	v20 =	vld [tilespmem:s26+$0xFFFFE020]  }
.LBB2_3:
0x48: {  	p0 =	slt.u32 s29, $0x7E;
	v22 =	vmov s30;
	[tilespmem:v17+s16+$0x0] =	vst.idx.msk $0xffff, v16;
	v16 =	vld [tilespmem:s24+$0x50];
	v17 =	vadd.s32 v5, v8  }
0x49: {  	v23 =	vmov s28;
	s26 =	sadd.s32 $0x80, s26;
	v25 =	vadd.s32 v5, v9;
	s28 =	smov.u32 s29;
	v22 =	vand.u32 $0x7F, v22;
	v24 =	vld [tilespmem:s24+$0x10];
	[tilespmem:v15+s16+$0x0] =	vst.idx.msk $0xffff, v13  }
0x4a: {  	v23 =	vand.u32 $0x7E, v23;
	v13 =	vld [tilespmem:s26+$0xFFFFE040];
	v15 =	vadd.s32 v0, v22;
	[tilespmem:v14+s16+$0x0] =	vst.idx.msk $0xffff, v12  }
0x4b: {  	v14 =	vadd.s32 v0, v23;
	v12 =	vld [tilespmem:s26+$0xFFFFE000];
	[tilespmem:v19+s16+$0x0] =	vst.idx.msk $0xffff, v18  }
0x4c: {  	v19 =	vadd.s32 v3, v10;
	[tilespmem:v21+s16+$0x0] =	vst.idx.msk $0xffff, v20;
	v18 =	vld [tilespmem:s25+$0xFFFFE070]  }
0x4d: {  	v21 =	vadd.s32 v3, v11;
	v20 =	vld [tilespmem:s25+$0xFFFFE030];
	[tilespmem:v17+s16+$0x0] =	vst.idx.msk $0xffff, v16  }
0x4e: {  	[tilespmem:v25+s16+$0x0] =	vst.idx.msk $0xffff, v24;
	v24 =	vld [tilespmem:s24+$0x60];
	v25 =	vadd.s32 v6, v8  }
0x4f: {  	[tilespmem:v15+s16+$0x0] =	vst.idx.msk $0xffff, v13;
	v13 =	vld [tilespmem:s24+$0x20];
	v15 =	vadd.s32 v6, v9  }
0x50: {  	[tilespmem:v14+s16+$0x0] =	vst.idx.msk $0xffff, v12;
	v12 =	vld [tilespmem:s26+$0xFFFFE050];
	v14 =	vadd.s32 v1, v22  }
0x51: {  	v27 =	vadd.s32 v1, v23;
	v26 =	vld [tilespmem:s26+$0xFFFFE010];
	[tilespmem:v19+s16+$0x0] =	vst.idx.msk $0xffff, v18  }
0x52: {  	v29 =	vadd.s32 v4, v10;
	[tilespmem:v21+s16+$0x0] =	vst.idx.msk $0xffff, v20;
	v28 =	vld [tilespmem:s25+$0x40]  }
.Ltmp0:
0x53: {  	v17 =	vadd.s32 v4, v11;
	v16 =	vld [tilespmem:s25+$0x0];
	[tilespmem:v25+s16+$0x0] =	vst.idx.msk $0xffff, v24;
	(pc) =	sbr.rel @p0 .LBB2_3-.Ltmp0, $4  }
0x54: {  	[tilespmem:v15+s16+$0x0] =	vst.idx.msk $0xffff, v13;
	v13 =	vld [tilespmem:s24+$0x70];
	v15 =	vadd.s32 v7, v8;
	v8 =	vmov v10;
	v10 =	vmov v22  }
0x55: {  	[tilespmem:v14+s16+$0x0] =	vst.idx.msk $0xffff, v12;
	v12 =	vld [tilespmem:s24+$0x30];
	v14 =	vadd.s32 v7, v9;
	v9 =	vmov v11;
	v11 =	vmov v23;
	s24 =	smov.u32 s25;
	s25 =	smov.u32 s26  }
0x56: {  	v19 =	vadd.s32 v2, v10;
	[tilespmem:v27+s16+$0x0] =	vst.idx.msk $0xffff, v26;
	v18 =	vld [tilespmem:s26+$0xFFFFE060]  }
0x57: {  	s29 =	sadd.s32 $0x2, s29;
	s30 =	sadd.s32 $0x1, s28;
	v21 =	vadd.s32 v2, v11;
	v20 =	vld [tilespmem:s26+$0xFFFFE020];
	[tilespmem:v29+s16+$0x0] =	vst.idx.msk $0xffff, v28  }
0x58: {  	v22 =	vmov s30  }
0x59: {  	v23 =	vmov s28;
	s26 =	sadd.s32 $0x80, s26;
	v22 =	vand.u32 $0x7F, v22  }
0x5a: {  	v23 =	vand.u32 $0x7E, v23;
	v24 =	vld [tilespmem:s26+$0xFFFFE040];
	v25 =	vadd.s32 v0, v22  }
0x5b: {  	v26 =	vld [tilespmem:s26+$0xFFFFE000];
	v27 =	vadd.s32 v0, v23;
	_ =	sdelay $0x3  }
0x5c: {  	[tilespmem:v25+s16+$0x0] =	vst.idx.msk $0xffff, v24  }
0x5d: {  	v56 =	vadd.s32 v1, v22;
	[tilespmem:v27+s16+$0x0] =	vst.idx.msk $0xffff, v26;
	v24 =	vld [tilespmem:s26+$0xFFFFE050]  }
0x5e: {  	v57 =	vadd.s32 v1, v23;
	v26 =	vld [tilespmem:s26+$0xFFFFE010];
	_ =	sdelay $0x3  }
0x5f: {  	[tilespmem:v56+s16+$0x0] =	vst.idx.msk $0xffff, v24  }
0x60: {  	v58 =	vadd.s32 v2, v22;
	[tilespmem:v57+s16+$0x0] =	vst.idx.msk $0xffff, v26;
	v24 =	vld [tilespmem:s26+$0xFFFFE060]  }
0x61: {  	v59 =	vadd.s32 v2, v23;
	v26 =	vld [tilespmem:s26+$0xFFFFE020];
	_ =	sdelay $0x1  }
0x62: {  	[tilespmem:v19+s16+$0x0] =	vst.idx.msk $0xffff, v18  }
0x63: {  	v60 =	vadd.s32 v3, v10;
	[tilespmem:v21+s16+$0x0] =	vst.idx.msk $0xffff, v20;
	v18 =	vld [tilespmem:s25+$0xFFFFE070]  }
0x64: {  	v61 =	vadd.s32 v3, v11;
	v20 =	vld [tilespmem:s25+$0xFFFFE030];
	[tilespmem:v58+s16+$0x0] =	vst.idx.msk $0xffff, v24  }
0x65: {  	v62 =	vadd.s32 v3, v22;
	[tilespmem:v59+s16+$0x0] =	vst.idx.msk $0xffff, v26;
	v24 =	vld [tilespmem:s26+$0xFFFFE070]  }
0x66: {  	v63 =	vadd.s32 v3, v23;
	v26 =	vld [tilespmem:s26+$0xFFFFE030]  }
0x67: {  	[tilespmem:v17+s16+$0x0] =	vst.idx.msk $0xffff, v16  }
0x68: {  	[tilespmem:v60+s16+$0x0] =	vst.idx.msk $0xffff, v18  }
0x69: {  	v29 =	vadd.s32 v4, v10;
	[tilespmem:v61+s16+$0x0] =	vst.idx.msk $0xffff, v20;
	v28 =	vld [tilespmem:s25+$0x40]  }
0x6a: {  	v31 =	vadd.s32 v4, v11;
	v30 =	vld [tilespmem:s25+$0x0];
	[tilespmem:v62+s16+$0x0] =	vst.idx.msk $0xffff, v24  }
0x6b: {  	v33 =	vadd.s32 v4, v22;
	[tilespmem:v63+s16+$0x0] =	vst.idx.msk $0xffff, v26;
	v32 =	vld [tilespmem:s26+$0x40]  }
0x6c: {  	[tilespmem:v15+s16+$0x0] =	vst.idx.msk $0xffff, v13;
	v35 =	vadd.s32 v4, v23;
	v34 =	vld [tilespmem:s26+$0x0]  }
0x6d: {  	v36 =	vld [tilespmem:s24+$0x50];
	v37 =	vadd.s32 v5, v8;
	[tilespmem:v14+s16+$0x0] =	vst.idx.msk $0xffff, v12  }
0x6e: {  	v39 =	vadd.s32 v5, v9;
	v38 =	vld [tilespmem:s24+$0x10];
	[tilespmem:v29+s16+$0x0] =	vst.idx.msk $0xffff, v28  }
0x6f: {  	v40 =	vadd.s32 v5, v10;
	[tilespmem:v31+s16+$0x0] =	vst.idx.msk $0xffff, v30;
	v16 =	vld [tilespmem:s25+$0x50]  }
0x70: {  	v41 =	vadd.s32 v5, v11;
	v18 =	vld [tilespmem:s25+$0x10];
	[tilespmem:v33+s16+$0x0] =	vst.idx.msk $0xffff, v32  }
0x71: {  	v43 =	vadd.s32 v5, v22;
	[tilespmem:v35+s16+$0x0] =	vst.idx.msk $0xffff, v34;
	v42 =	vld [tilespmem:s26+$0x50]  }
0x72: {  	v45 =	vadd.s32 v5, v23;
	[tilespmem:v37+s16+$0x0] =	vst.idx.msk $0xffff, v36;
	v44 =	vld [tilespmem:s26+$0x10]  }
0x73: {  	v47 =	vadd.s32 v6, v8;
	[tilespmem:v39+s16+$0x0] =	vst.idx.msk $0xffff, v38;
	v46 =	vld [tilespmem:s24+$0x60]  }
0x74: {  	v49 =	vadd.s32 v6, v9;
	v48 =	vld [tilespmem:s24+$0x20];
	[tilespmem:v40+s16+$0x0] =	vst.idx.msk $0xffff, v16  }
0x75: {  	v50 =	vadd.s32 v6, v10;
	[tilespmem:v41+s16+$0x0] =	vst.idx.msk $0xffff, v18;
	v16 =	vld [tilespmem:s25+$0x60]  }
0x76: {  	v51 =	vadd.s32 v6, v11;
	v18 =	vld [tilespmem:s25+$0x20];
	[tilespmem:v43+s16+$0x0] =	vst.idx.msk $0xffff, v42  }
0x77: {  	v52 =	vadd.s32 v6, v22;
	[tilespmem:v45+s16+$0x0] =	vst.idx.msk $0xffff, v44;
	v13 =	vld [tilespmem:s26+$0x60]  }
0x78: {  	v54 =	vadd.s32 v6, v23;
	[tilespmem:v47+s16+$0x0] =	vst.idx.msk $0xffff, v46;
	v53 =	vld [tilespmem:s26+$0x20]  }
0x79: {  	v8 =	vadd.s32 v7, v8;
	[tilespmem:v49+s16+$0x0] =	vst.idx.msk $0xffff, v48;
	v55 =	vld [tilespmem:s24+$0x70]  }
0x7a: {  	v56 =	vld [tilespmem:s24+$0x30];
	v57 =	vadd.s32 v7, v9;
	[tilespmem:v50+s16+$0x0] =	vst.idx.msk $0xffff, v16  }
0x7b: {  	v58 =	vadd.s32 v7, v10;
	[tilespmem:v51+s16+$0x0] =	vst.idx.msk $0xffff, v18;
	v16 =	vld [tilespmem:s25+$0x70]  }
0x7c: {  	v60 =	vadd.s32 v7, v11;
	v59 =	vld [tilespmem:s25+$0x30];
	[tilespmem:v52+s16+$0x0] =	vst.idx.msk $0xffff, v13  }
0x7d: {  	v62 =	vadd.s32 v7, v22;
	[tilespmem:v54+s16+$0x0] =	vst.idx.msk $0xffff, v53;
	v61 =	vld [tilespmem:s26+$0x70]  }
0x7e: {  	[tilespmem:v8+s16+$0x0] =	vst.idx.msk $0xffff, v55;
	v63 =	vadd.s32 v7, v23;
	v8 =	vld [tilespmem:s26+$0x30]  }
0x7f: {  	[tilespmem:v57+s16+$0x0] =	vst.idx.msk $0xffff, v56  }
0x80: {  	s25 =	sshll.u32 s22, $0x14;
	[tilespmem:v58+s16+$0x0] =	vst.idx.msk $0xffff, v16  }
0x81: {  	s24 =	sor.u32 s6, s25;
	[tilespmem:v60+s16+$0x0] =	vst.idx.msk $0xffff, v59  }
0x82: {  	s24 =	sshrl.u32 s24, $0x3;
	[tilespmem:v62+s16+$0x0] =	vst.idx.msk $0xffff, v61  }
0x83: {  	s25 =	sadd.s32 s2, s24;
	s26 =	simm.s32 $0xE400;
	[tilespmem:v63+s16+$0x0] =	vst.idx.msk $0xffff, v8  }
0x84: {  	[hbm4b:s25+s3] =	stream.linear.scatter [tilespmem:s26], [sflag:$0x3], $0x80, $0x38;
	[tilespmem:$0x16C00] =	vst v63  }
0x85: {  	s30 =	simm.s32 $0xE488;
	s31 =	sadd.s32 $0x10, s25  }
0x86: {  	[hbm4b:s31+s3] =	stream.linear.scatter [tilespmem:s30], [sflag:$0x3], $0x80, $0x38;
	[tilespmem:$0x16C00] =	vst v63  }
0x87: {  	s28 =	simm.s32 $0xE7B8;
	s30 =	simm.s32 $0xE510;
	s31 =	sadd.s32 $0x20, s25  }
0x88: {  	[hbm4b:s31+s3] =	stream.linear.scatter [tilespmem:s30], [sflag:$0x3], $0x80, $0x38;
	[tilespmem:$0x16C00] =	vst v63  }
0x89: {  	s24 =	simm.s32 $0x440;
	s30 =	simm.s32 $0xE598;
	s31 =	sadd.s32 $0x30, s25  }
0x8a: {  	[hbm4b:s31+s3] =	stream.linear.scatter [tilespmem:s30], [sflag:$0x3], $0x80, $0x38;
	[tilespmem:$0x16C00] =	vst v63  }
0x8b: {  	s29 =	sadd.s32 $0x70, s25;
	s30 =	simm.s32 $0xE620;
	s31 =	sadd.s32 $0x40, s25  }
0x8c: {  	[hbm4b:s31+s3] =	stream.linear.scatter [tilespmem:s30], [sflag:$0x3], $0x80, $0x38;
	[tilespmem:$0x16C00] =	vst v63  }
0x8d: {  	s26 =	simm.s32 $0x2200;
	s30 =	simm.s32 $0xE6A8;
	s31 =	sadd.s32 $0x50, s25  }
0x8e: {  	[hbm4b:s31+s3] =	stream.linear.scatter [tilespmem:s30], [sflag:$0x3], $0x80, $0x38;
	[tilespmem:$0x16C00] =	vst v63  }
0x8f: {  	s30 =	simm.s32 $0xE730;
	s31 =	sadd.s32 $0x60, s25;
	s25 =	sadd.s32 $0x1000, s25  }
0x90: {  	[hbm4b:s31+s3] =	stream.linear.scatter [tilespmem:s30], [sflag:$0x3], $0x80, $0x38;
	[tilespmem:$0x16C00] =	vst v63  }
.LBB2_5:
0x91: {  	[hbm4b:s29+s3] =	stream.linear.scatter [tilespmem:s28], [sflag:$0x3], $0x80, $0x38;
	[tilespmem:$0x16C00] =	vst v63  }
0x92: {  	s28 =	smov.u32 s24;
	s24 =	smov.u32 s26  }
0x93: {  	s30 =	sadd.s32 $0x1100, s26;
	s24 =	sshra.s32 s24, $0x2;
	s29 =	sadd.s32 $0xE400, s28  }
0x94: {  	[hbm4b:s25+s3] =	stream.linear.scatter [tilespmem:s29], [sflag:$0x3], $0x80, $0x38;
	[tilespmem:$0x16C00] =	vst v63  }
0x95: {  	p0 =	sne.s32 s26, $0xFF00;
	s26 =	sadd.s32 $0xE488, s28;
	s29 =	sadd.s32 $0x10, s25  }
0x96: {  	[hbm4b:s29+s3] =	stream.linear.scatter [tilespmem:s26], [sflag:$0x3], $0x80, $0x38;
	[tilespmem:$0x16C00] =	vst v63  }
0x97: {  	s26 =	sadd.s32 $0xE510, s28;
	s29 =	sadd.s32 $0x20, s25  }
0x98: {  	[hbm4b:s29+s3] =	stream.linear.scatter [tilespmem:s26], [sflag:$0x3], $0x80, $0x38;
	[tilespmem:$0x16C00] =	vst v63  }
0x99: {  	s26 =	sadd.s32 $0xE598, s28;
	s29 =	sadd.s32 $0x30, s25  }
0x9a: {  	[hbm4b:s29+s3] =	stream.linear.scatter [tilespmem:s26], [sflag:$0x3], $0x80, $0x38;
	[tilespmem:$0x16C00] =	vst v63  }
0x9b: {  	s26 =	sadd.s32 $0xE620, s28;
	s29 =	sadd.s32 $0x40, s25  }
0x9c: {  	[hbm4b:s29+s3] =	stream.linear.scatter [tilespmem:s26], [sflag:$0x3], $0x80, $0x38;
	[tilespmem:$0x16C00] =	vst v63  }
.Ltmp1:
0x9d: {  	s26 =	sadd.s32 $0xE6A8, s28;
	s29 =	sadd.s32 $0x50, s25;
	(pc) =	sbr.rel @p0 .LBB2_5-.Ltmp1, $4  }
0x9e: {  	[hbm4b:s29+s3] =	stream.linear.scatter [tilespmem:s26], [sflag:$0x3], $0x80, $0x38;
	[tilespmem:$0x16C00] =	vst v63  }
0x9f: {  	s26 =	sadd.s32 $0xE730, s28;
	s29 =	sadd.s32 $0x60, s25;
	s28 =	sadd.s32 $0xE7B8, s28  }
0xa0: {  	[hbm4b:s29+s3] =	stream.linear.scatter [tilespmem:s26], [sflag:$0x3], $0x80, $0x38;
	[tilespmem:$0x16C00] =	vst v63  }
0xa1: {  	s29 =	sadd.s32 $0x70, s25;
	s25 =	sadd.s32 $0x1000, s25;
	s26 =	smov.u32 s30  }
0xa2: {  	[hbm4b:s29+s3] =	stream.linear.scatter [tilespmem:s28], [sflag:$0x3], $0x80, $0x38;
	[tilespmem:$0x16C00] =	vst v63  }
0xa3: {  	s26 =	sadd.s32 $0xE400, s24  }
0xa4: {  	[hbm4b:s25+s3] =	stream.linear.scatter [tilespmem:s26], [sflag:$0x3], $0x80, $0x38;
	[tilespmem:$0x16C00] =	vst v63  }
0xa5: {  	s31 =	sadd.s32 $0xE488, s24;
	s28 =	sadd.s32 $0x10, s25  }
0xa6: {  	[hbm4b:s28+s3] =	stream.linear.scatter [tilespmem:s31], [sflag:$0x3], $0x80, $0x38;
	[tilespmem:$0x16C00] =	vst v63  }
0xa7: {  	s31 =	sadd.s32 $0xE510, s24;
	s28 =	sadd.s32 $0x20, s25  }
0xa8: {  	[hbm4b:s28+s3] =	stream.linear.scatter [tilespmem:s31], [sflag:$0x3], $0x80, $0x38;
	[tilespmem:$0x16C00] =	vst v63  }
0xa9: {  	s31 =	sadd.s32 $0xE598, s24;
	s28 =	sadd.s32 $0x30, s25  }
0xaa: {  	[hbm4b:s28+s3] =	stream.linear.scatter [tilespmem:s31], [sflag:$0x3], $0x80, $0x38;
	[tilespmem:$0x16C00] =	vst v63  }
0xab: {  	s31 =	sadd.s32 $0xE620, s24;
	s28 =	sadd.s32 $0x40, s25  }
0xac: {  	[hbm4b:s28+s3] =	stream.linear.scatter [tilespmem:s31], [sflag:$0x3], $0x80, $0x38;
	[tilespmem:$0x16C00] =	vst v63  }
0xad: {  	s31 =	sadd.s32 $0xE6A8, s24;
	s28 =	sadd.s32 $0x50, s25  }
0xae: {  	[hbm4b:s28+s3] =	stream.linear.scatter [tilespmem:s31], [sflag:$0x3], $0x80, $0x38;
	[tilespmem:$0x16C00] =	vst v63  }
0xaf: {  	s31 =	sadd.s32 $0xE730, s24;
	s28 =	sadd.s32 $0x60, s25  }
0xb0: {  	[hbm4b:s28+s3] =	stream.linear.scatter [tilespmem:s31], [sflag:$0x3], $0x80, $0x38;
	[tilespmem:$0x16C00] =	vst v63  }
0xb1: {  	s26 =	sadd.s32 $0xE7B8, s24;
	s31 =	sadd.s32 $0x70, s25  }
0xb2: {  	[hbm4b:s31+s3] =	stream.linear.scatter [tilespmem:s26], [sflag:$0x3], $0x80, $0x38;
	[tilespmem:$0x16C00] =	vst v63  }
0xb3: {  	_ =	swait.ge [sflag:s17], $0x2000  }
0xb4: {  	p0 =	seq.s32 s22, $0x31;
	[sflag:s17] =	ssyncset.done $0x0  }
0xb5: {  	s24 =	sshll.u32 @!p0 s22, $0x9;
	[sflag:s17] =	ssyncadd.s32 $0xFFFFE000  }
0xb6: {  	s24 =	sand.u32 @!p0 $0x3FFFFE00, s24;
	_ =	swait.ge [sflag:s17], $0x2000  }
0xb7: {  	s25 =	sadd.s32 @!p0 $0x200, s24;
	[sflag:s17] =	ssyncset.done $0x0  }
0xb8: {  	s28 =	simm.s32 @!p0 $0x6400;
	s26 =	simm.s32 @!p0 $0x80;
	[sflag:s17] =	ssyncadd.s32 $0xFFFFE000  }
0xb9: {  	[tilespmem:s28], [sflag:$0x1] =	stream.indirect.gather @!p0 [hbm4b:s4+s26], $0x40, s25, s26, $0xb8;
	[tilespmem:$0x16C00] =	vst v63  }
0xba: {  	p1 =	seq.s32 @!p0 s22, $0x0;
	s24 =	sadd.s32 @!p0 $0x280, s24;
	s25 =	simm.s32 @!p0 $0x8400  }
0xbb: {  	[tilespmem:s25], [sflag:$0x1] =	stream.indirect.gather @!p0 [hbm4b:s4+s26], $0x40, s24, s26, $0xb8;
	[tilespmem:$0x16C00] =	vst v63  }
0xbc: {  	p0 =	por p0, !p1  }
0xbd: {  	s26 =	simm.s32 $0x1;
	_ =	swait.ge @p0 [sflag:s20], $0x4000  }
0xbe: {  	s31 =	simm.s32 $0x0;
	v8 =	vmov s26;
	[sflag:s20] =	ssyncset.done @p0 $0x0  }
0xbf: {  	v9 =	vmov s31;
	s25 =	simm.s32 $0xC470;
	v14 =	vand.u32 $0x7F, v8;
	[sflag:s20] =	ssyncadd.s32 @p0 $0xFFFFC000  }
0xc0: {  	v18 =	vand.u32 $0x7E, v9;
	v9 =	vadd.s32 v0, v14;
	v8 =	vld [tilespmem:s25+$0xFFFFDFD0]  }
0xc1: {  	v11 =	vadd.s32 v0, v18;
	v10 =	vld [tilespmem:s25+$0xFFFFDF90];
	_ =	sdelay $0x3  }
0xc2: {  	[tilespmem:v9+s18+$0x0] =	vst.idx.msk $0xffff, v8  }
0xc3: {  	[tilespmem:v11+s18+$0x0] =	vst.idx.msk $0xffff, v10;
	v9 =	vadd.s32 v1, v14;
	v8 =	vld [tilespmem:s25+$0xFFFFDFE0]  }
0xc4: {  	v11 =	vadd.s32 v1, v18;
	v10 =	vld [tilespmem:s25+$0xFFFFDFA0];
	_ =	sdelay $0x3  }
0xc5: {  	[tilespmem:v9+s18+$0x0] =	vst.idx.msk $0xffff, v8  }
0xc6: {  	[tilespmem:v11+s18+$0x0] =	vst.idx.msk $0xffff, v10;
	v11 =	vadd.s32 v2, v14;
	v10 =	vld [tilespmem:s25+$0xFFFFDFF0]  }
0xc7: {  	v13 =	vadd.s32 v2, v18;
	s26 =	simm.s32 $0x3;
	v12 =	vld [tilespmem:s25+$0xFFFFDFB0]  }
0xc8: {  	s31 =	simm.s32 $0x2;
	v8 =	vmov s26  }
0xc9: {  	s24 =	simm.s32 $0xC4F0;
	v9 =	vmov s31;
	v8 =	vand.u32 $0x7F, v8  }
0xca: {  	v15 =	vld [tilespmem:s24+$0xFFFFDFD0];
	v9 =	vand.u32 $0x7E, v9;
	v16 =	vadd.s32 v0, v8  }
0xcb: {  	v17 =	vld [tilespmem:s24+$0xFFFFDF90];
	v19 =	vadd.s32 v0, v9;
	[tilespmem:v11+s18+$0x0] =	vst.idx.msk $0xffff, v10  }
0xcc: {  	[tilespmem:v13+s18+$0x0] =	vst.idx.msk $0xffff, v12;
	v11 =	vadd.s32 v3, v14;
	v10 =	vld [tilespmem:s25+$0xFFFFE000]  }
0xcd: {  	v13 =	vadd.s32 v3, v18;
	v12 =	vld [tilespmem:s25+$0xFFFFDFC0];
	_ =	sdelay $0x1  }
0xce: {  	[tilespmem:v16+s18+$0x0] =	vst.idx.msk $0xffff, v15  }
0xcf: {  	[tilespmem:v19+s18+$0x0] =	vst.idx.msk $0xffff, v17;
	v16 =	vadd.s32 v1, v8;
	v15 =	vld [tilespmem:s24+$0xFFFFDFE0]  }
0xd0: {  	v19 =	vadd.s32 v1, v9;
	v17 =	vld [tilespmem:s24+$0xFFFFDFA0];
	[tilespmem:v11+s18+$0x0] =	vst.idx.msk $0xffff, v10  }
0xd1: {  	[tilespmem:v13+s18+$0x0] =	vst.idx.msk $0xffff, v12;
	v11 =	vadd.s32 v4, v14;
	v10 =	vld [tilespmem:s25+$0xFFFFFFD0]  }
0xd2: {  	v13 =	vadd.s32 v4, v18;
	v12 =	vld [tilespmem:s25+$0xFFFFFF90];
	_ =	sdelay $0x1  }
0xd3: {  	[tilespmem:v16+s18+$0x0] =	vst.idx.msk $0xffff, v15  }
0xd4: {  	[tilespmem:v19+s18+$0x0] =	vst.idx.msk $0xffff, v17;
	v16 =	vadd.s32 v2, v8;
	v15 =	vld [tilespmem:s24+$0xFFFFDFF0]  }
0xd5: {  	s31 =	simm.s32 $0x5;
	v19 =	vadd.s32 v2, v9;
	v17 =	vld [tilespmem:s24+$0xFFFFDFB0];
	[tilespmem:v11+s18+$0x0] =	vst.idx.msk $0xffff, v10  }
0xd6: {  	s28 =	simm.s32 $0x4;
	v10 =	vmov s31;
	[tilespmem:v13+s18+$0x0] =	vst.idx.msk $0xffff, v12;
	v13 =	vadd.s32 v5, v14;
	v12 =	vld [tilespmem:s25+$0xFFFFFFE0]  }
0xd7: {  	v21 =	vadd.s32 v5, v18;
	s26 =	simm.s32 $0xC570;
	v11 =	vmov s28;
	v10 =	vand.u32 $0x7F, v10;
	v20 =	vld [tilespmem:s25+$0xFFFFFFA0]  }
0xd8: {  	v22 =	vld [tilespmem:s26+$0xFFFFDFD0];
	v11 =	vand.u32 $0x7E, v11;
	v23 =	vadd.s32 v0, v10  }
0xd9: {  	v24 =	vld [tilespmem:s26+$0xFFFFDF90];
	[tilespmem:v16+s18+$0x0] =	vst.idx.msk $0xffff, v15;
	v25 =	vadd.s32 v0, v11  }
0xda: {  	[tilespmem:v19+s18+$0x0] =	vst.idx.msk $0xffff, v17;
	v16 =	vadd.s32 v3, v8;
	v15 =	vld [tilespmem:s24+$0xFFFFE000]  }
0xdb: {  	v19 =	vadd.s32 v3, v9;
	v17 =	vld [tilespmem:s24+$0xFFFFDFC0];
	[tilespmem:v13+s18+$0x0] =	vst.idx.msk $0xffff, v12  }
0xdc: {  	[tilespmem:v21+s18+$0x0] =	vst.idx.msk $0xffff, v20;
	v13 =	vadd.s32 v6, v14;
	v12 =	vld [tilespmem:s25+$0xFFFFFFF0]  }
0xdd: {  	v21 =	vadd.s32 v6, v18;
	[tilespmem:v23+s18+$0x0] =	vst.idx.msk $0xffff, v22;
	v20 =	vld [tilespmem:s25+$0xFFFFFFB0]  }
0xde: {  	[tilespmem:v25+s18+$0x0] =	vst.idx.msk $0xffff, v24;
	v23 =	vadd.s32 v1, v10;
	v22 =	vld [tilespmem:s26+$0xFFFFDFE0]  }
0xdf: {  	v63 =	vadd.s32 v1, v11;
	[tilespmem:v16+s18+$0x0] =	vst.idx.msk $0xffff, v15;
	v24 =	vld [tilespmem:s26+$0xFFFFDFA0]  }
0xe0: {  	v27 =	vadd.s32 v4, v8;
	[tilespmem:v19+s18+$0x0] =	vst.idx.msk $0xffff, v17;
	v26 =	vld [tilespmem:s24+$0xFFFFFFD0]  }
0xe1: {  	v17 =	vadd.s32 v4, v9;
	v16 =	vld [tilespmem:s24+$0xFFFFFF90];
	[tilespmem:v13+s18+$0x0] =	vst.idx.msk $0xffff, v12  }
0xe2: {  	v15 =	vadd.s32 v7, v14;
	[tilespmem:v21+s18+$0x0] =	vst.idx.msk $0xffff, v20;
	v13 =	vld [tilespmem:s25+$0x0]  }
0xe3: {  	v14 =	vadd.s32 v7, v18;
	[tilespmem:v23+s18+$0x0] =	vst.idx.msk $0xffff, v22;
	v12 =	vld [tilespmem:s25+$0xFFFFFFC0]  }
0xe4: {  	s30 =	simm.s32 $0x7;
	v19 =	vadd.s32 v2, v10;
	[tilespmem:v63+s18+$0x0] =	vst.idx.msk $0xffff, v24;
	v18 =	vld [tilespmem:s26+$0xFFFFDFF0]  }
0xe5: {  	s29 =	simm.s32 $0x8;
	s28 =	simm.s32 $0x6;
	v21 =	vadd.s32 v2, v11;
	[tilespmem:v27+s18+$0x0] =	vst.idx.msk $0xffff, v26;
	s25 =	simm.s32 $0xC570;
	v20 =	vld [tilespmem:s26+$0xFFFFDFB0]  }
.LBB2_7:
0xe6: {  	p0 =	slt.u32 s29, $0x7E;
	v22 =	vmov s30;
	[tilespmem:v17+s18+$0x0] =	vst.idx.msk $0xffff, v16;
	v16 =	vld [tilespmem:s24+$0xFFFFFFE0];
	v17 =	vadd.s32 v5, v8  }
0xe7: {  	v23 =	vmov s28;
	s26 =	sadd.s32 $0x80, s26;
	v25 =	vadd.s32 v5, v9;
	s28 =	smov.u32 s29;
	v22 =	vand.u32 $0x7F, v22;
	v24 =	vld [tilespmem:s24+$0xFFFFFFA0];
	[tilespmem:v15+s18+$0x0] =	vst.idx.msk $0xffff, v13  }
0xe8: {  	v23 =	vand.u32 $0x7E, v23;
	v13 =	vld [tilespmem:s26+$0xFFFFDFD0];
	v15 =	vadd.s32 v0, v22;
	[tilespmem:v14+s18+$0x0] =	vst.idx.msk $0xffff, v12  }
0xe9: {  	v14 =	vadd.s32 v0, v23;
	v12 =	vld [tilespmem:s26+$0xFFFFDF90];
	[tilespmem:v19+s18+$0x0] =	vst.idx.msk $0xffff, v18  }
0xea: {  	v19 =	vadd.s32 v3, v10;
	[tilespmem:v21+s18+$0x0] =	vst.idx.msk $0xffff, v20;
	v18 =	vld [tilespmem:s25+$0xFFFFE000]  }
0xeb: {  	v21 =	vadd.s32 v3, v11;
	v20 =	vld [tilespmem:s25+$0xFFFFDFC0];
	[tilespmem:v17+s18+$0x0] =	vst.idx.msk $0xffff, v16  }
0xec: {  	[tilespmem:v25+s18+$0x0] =	vst.idx.msk $0xffff, v24;
	v24 =	vld [tilespmem:s24+$0xFFFFFFF0];
	v25 =	vadd.s32 v6, v8  }
0xed: {  	[tilespmem:v15+s18+$0x0] =	vst.idx.msk $0xffff, v13;
	v13 =	vld [tilespmem:s24+$0xFFFFFFB0];
	v15 =	vadd.s32 v6, v9  }
0xee: {  	[tilespmem:v14+s18+$0x0] =	vst.idx.msk $0xffff, v12;
	v12 =	vld [tilespmem:s26+$0xFFFFDFE0];
	v14 =	vadd.s32 v1, v22  }
0xef: {  	v27 =	vadd.s32 v1, v23;
	v26 =	vld [tilespmem:s26+$0xFFFFDFA0];
	[tilespmem:v19+s18+$0x0] =	vst.idx.msk $0xffff, v18  }
0xf0: {  	v29 =	vadd.s32 v4, v10;
	[tilespmem:v21+s18+$0x0] =	vst.idx.msk $0xffff, v20;
	v28 =	vld [tilespmem:s25+$0xFFFFFFD0]  }
.Ltmp2:
0xf1: {  	v17 =	vadd.s32 v4, v11;
	v16 =	vld [tilespmem:s25+$0xFFFFFF90];
	[tilespmem:v25+s18+$0x0] =	vst.idx.msk $0xffff, v24;
	(pc) =	sbr.rel @p0 .LBB2_7-.Ltmp2, $4  }
0xf2: {  	[tilespmem:v15+s18+$0x0] =	vst.idx.msk $0xffff, v13;
	v13 =	vld [tilespmem:s24+$0x0];
	v15 =	vadd.s32 v7, v8;
	v8 =	vmov v10;
	v10 =	vmov v22  }
0xf3: {  	[tilespmem:v14+s18+$0x0] =	vst.idx.msk $0xffff, v12;
	v12 =	vld [tilespmem:s24+$0xFFFFFFC0];
	v14 =	vadd.s32 v7, v9;
	v9 =	vmov v11;
	v11 =	vmov v23;
	s24 =	smov.u32 s25;
	s25 =	smov.u32 s26  }
0xf4: {  	v19 =	vadd.s32 v2, v10;
	[tilespmem:v27+s18+$0x0] =	vst.idx.msk $0xffff, v26;
	v18 =	vld [tilespmem:s26+$0xFFFFDFF0]  }
0xf5: {  	s29 =	sadd.s32 $0x2, s29;
	s30 =	sadd.s32 $0x1, s28;
	v21 =	vadd.s32 v2, v11;
	v20 =	vld [tilespmem:s26+$0xFFFFDFB0];
	[tilespmem:v29+s18+$0x0] =	vst.idx.msk $0xffff, v28  }
0xf6: {  	v22 =	vmov s30  }
0xf7: {  	v23 =	vmov s28;
	s26 =	sadd.s32 $0x80, s26;
	v22 =	vand.u32 $0x7F, v22  }
0xf8: {  	v23 =	vand.u32 $0x7E, v23;
	v24 =	vld [tilespmem:s26+$0xFFFFDFD0];
	v25 =	vadd.s32 v0, v22  }
0xf9: {  	v26 =	vld [tilespmem:s26+$0xFFFFDF90];
	v27 =	vadd.s32 v0, v23;
	_ =	sdelay $0x3  }
0xfa: {  	[tilespmem:v25+s18+$0x0] =	vst.idx.msk $0xffff, v24  }
0xfb: {  	v56 =	vadd.s32 v1, v22;
	[tilespmem:v27+s18+$0x0] =	vst.idx.msk $0xffff, v26;
	v24 =	vld [tilespmem:s26+$0xFFFFDFE0]  }
0xfc: {  	v57 =	vadd.s32 v1, v23;
	v26 =	vld [tilespmem:s26+$0xFFFFDFA0];
	_ =	sdelay $0x3  }
0xfd: {  	[tilespmem:v56+s18+$0x0] =	vst.idx.msk $0xffff, v24  }
0xfe: {  	v58 =	vadd.s32 v2, v22;
	[tilespmem:v57+s18+$0x0] =	vst.idx.msk $0xffff, v26;
	v24 =	vld [tilespmem:s26+$0xFFFFDFF0]  }
0xff: {  	v59 =	vadd.s32 v2, v23;
	v26 =	vld [tilespmem:s26+$0xFFFFDFB0];
	_ =	sdelay $0x1  }
0x100: {  	[tilespmem:v19+s18+$0x0] =	vst.idx.msk $0xffff, v18  }
0x101: {  	v60 =	vadd.s32 v3, v10;
	[tilespmem:v21+s18+$0x0] =	vst.idx.msk $0xffff, v20;
	v18 =	vld [tilespmem:s25+$0xFFFFE000]  }
0x102: {  	v61 =	vadd.s32 v3, v11;
	v20 =	vld [tilespmem:s25+$0xFFFFDFC0];
	[tilespmem:v58+s18+$0x0] =	vst.idx.msk $0xffff, v24  }
0x103: {  	v62 =	vadd.s32 v3, v22;
	[tilespmem:v59+s18+$0x0] =	vst.idx.msk $0xffff, v26;
	v24 =	vld [tilespmem:s26+$0xFFFFE000]  }
0x104: {  	v63 =	vadd.s32 v3, v23;
	v26 =	vld [tilespmem:s26+$0xFFFFDFC0]  }
0x105: {  	[tilespmem:v17+s18+$0x0] =	vst.idx.msk $0xffff, v16  }
0x106: {  	[tilespmem:v60+s18+$0x0] =	vst.idx.msk $0xffff, v18  }
0x107: {  	v29 =	vadd.s32 v4, v10;
	[tilespmem:v61+s18+$0x0] =	vst.idx.msk $0xffff, v20;
	v28 =	vld [tilespmem:s25+$0xFFFFFFD0]  }
0x108: {  	v31 =	vadd.s32 v4, v11;
	v30 =	vld [tilespmem:s25+$0xFFFFFF90];
	[tilespmem:v62+s18+$0x0] =	vst.idx.msk $0xffff, v24  }
0x109: {  	v33 =	vadd.s32 v4, v22;
	[tilespmem:v63+s18+$0x0] =	vst.idx.msk $0xffff, v26;
	v32 =	vld [tilespmem:s26+$0xFFFFFFD0]  }
0x10a: {  	[tilespmem:v15+s18+$0x0] =	vst.idx.msk $0xffff, v13;
	v35 =	vadd.s32 v4, v23;
	v34 =	vld [tilespmem:s26+$0xFFFFFF90]  }
0x10b: {  	v36 =	vld [tilespmem:s24+$0xFFFFFFE0];
	v37 =	vadd.s32 v5, v8;
	[tilespmem:v14+s18+$0x0] =	vst.idx.msk $0xffff, v12  }
0x10c: {  	v39 =	vadd.s32 v5, v9;
	v38 =	vld [tilespmem:s24+$0xFFFFFFA0];
	[tilespmem:v29+s18+$0x0] =	vst.idx.msk $0xffff, v28  }
0x10d: {  	v40 =	vadd.s32 v5, v10;
	[tilespmem:v31+s18+$0x0] =	vst.idx.msk $0xffff, v30;
	v16 =	vld [tilespmem:s25+$0xFFFFFFE0]  }
0x10e: {  	v41 =	vadd.s32 v5, v11;
	v18 =	vld [tilespmem:s25+$0xFFFFFFA0];
	[tilespmem:v33+s18+$0x0] =	vst.idx.msk $0xffff, v32  }
0x10f: {  	v43 =	vadd.s32 v5, v22;
	[tilespmem:v35+s18+$0x0] =	vst.idx.msk $0xffff, v34;
	v42 =	vld [tilespmem:s26+$0xFFFFFFE0]  }
0x110: {  	v45 =	vadd.s32 v5, v23;
	[tilespmem:v37+s18+$0x0] =	vst.idx.msk $0xffff, v36;
	v44 =	vld [tilespmem:s26+$0xFFFFFFA0]  }
0x111: {  	v47 =	vadd.s32 v6, v8;
	[tilespmem:v39+s18+$0x0] =	vst.idx.msk $0xffff, v38;
	v46 =	vld [tilespmem:s24+$0xFFFFFFF0]  }
0x112: {  	v49 =	vadd.s32 v6, v9;
	v48 =	vld [tilespmem:s24+$0xFFFFFFB0];
	[tilespmem:v40+s18+$0x0] =	vst.idx.msk $0xffff, v16  }
0x113: {  	v50 =	vadd.s32 v6, v10;
	[tilespmem:v41+s18+$0x0] =	vst.idx.msk $0xffff, v18;
	v16 =	vld [tilespmem:s25+$0xFFFFFFF0]  }
0x114: {  	v51 =	vadd.s32 v6, v11;
	v18 =	vld [tilespmem:s25+$0xFFFFFFB0];
	[tilespmem:v43+s18+$0x0] =	vst.idx.msk $0xffff, v42  }
0x115: {  	v52 =	vadd.s32 v6, v22;
	[tilespmem:v45+s18+$0x0] =	vst.idx.msk $0xffff, v44;
	v13 =	vld [tilespmem:s26+$0xFFFFFFF0]  }
0x116: {  	v54 =	vadd.s32 v6, v23;
	[tilespmem:v47+s18+$0x0] =	vst.idx.msk $0xffff, v46;
	v53 =	vld [tilespmem:s26+$0xFFFFFFB0]  }
0x117: {  	v8 =	vadd.s32 v7, v8;
	[tilespmem:v49+s18+$0x0] =	vst.idx.msk $0xffff, v48;
	v55 =	vld [tilespmem:s24+$0x0]  }
0x118: {  	v56 =	vld [tilespmem:s24+$0xFFFFFFC0];
	v57 =	vadd.s32 v7, v9;
	[tilespmem:v50+s18+$0x0] =	vst.idx.msk $0xffff, v16  }
0x119: {  	v58 =	vadd.s32 v7, v10;
	[tilespmem:v51+s18+$0x0] =	vst.idx.msk $0xffff, v18;
	v16 =	vld [tilespmem:s25+$0x0]  }
0x11a: {  	v60 =	vadd.s32 v7, v11;
	v59 =	vld [tilespmem:s25+$0xFFFFFFC0];
	[tilespmem:v52+s18+$0x0] =	vst.idx.msk $0xffff, v13  }
0x11b: {  	v62 =	vadd.s32 v7, v22;
	[tilespmem:v54+s18+$0x0] =	vst.idx.msk $0xffff, v53;
	v61 =	vld [tilespmem:s26+$0x0]  }
0x11c: {  	[tilespmem:v8+s18+$0x0] =	vst.idx.msk $0xffff, v55;
	v63 =	vadd.s32 v7, v23;
	v8 =	vld [tilespmem:s26+$0xFFFFFFC0]  }
0x11d: {  	[tilespmem:v57+s18+$0x0] =	vst.idx.msk $0xffff, v56  }
0x11e: {  	s23 =	sshll.u32 s23, $0x13;
	[tilespmem:v58+s18+$0x0] =	vst.idx.msk $0xffff, v16  }
0x11f: {  	s23 =	sor.u32 s6, s23;
	[tilespmem:v60+s18+$0x0] =	vst.idx.msk $0xffff, v59  }
0x120: {  	s23 =	sshrl.u32 s23, $0x3;
	[tilespmem:v62+s18+$0x0] =	vst.idx.msk $0xffff, v61  }
0x121: {  	s24 =	sadd.s32 s2, s23;
	s25 =	simm.s32 $0x12800;
	[tilespmem:v63+s18+$0x0] =	vst.idx.msk $0xffff, v8  }
0x122: {  	[hbm4b:s24+s3] =	stream.linear.scatter [tilespmem:s25], [sflag:$0x4], $0x80, $0x38;
	[tilespmem:$0x16C00] =	vst v63  }
0x123: {  	s29 =	sadd.s32 $0x10, s24;
	s26 =	simm.s32 $0x12888  }
0x124: {  	[hbm4b:s29+s3] =	stream.linear.scatter [tilespmem:s26], [sflag:$0x4], $0x80, $0x38;
	[tilespmem:$0x16C00] =	vst v63  }
0x125: {  	s30 =	simm.s32 $0x12910;
	s23 =	simm.s32 $0x440;
	s31 =	sadd.s32 $0x20, s24  }
0x126: {  	[hbm4b:s31+s3] =	stream.linear.scatter [tilespmem:s30], [sflag:$0x4], $0x80, $0x38;
	[tilespmem:$0x16C00] =	vst v63  }
0x127: {  	s28 =	sadd.s32 $0x70, s24;
	s26 =	simm.s32 $0x12998;
	s29 =	sadd.s32 $0x30, s24  }
0x128: {  	[hbm4b:s29+s3] =	stream.linear.scatter [tilespmem:s26], [sflag:$0x4], $0x80, $0x38;
	[tilespmem:$0x16C00] =	vst v63  }
0x129: {  	s25 =	simm.s32 $0x2200;
	s30 =	simm.s32 $0x12A20;
	s31 =	sadd.s32 $0x40, s24  }
0x12a: {  	[hbm4b:s31+s3] =	stream.linear.scatter [tilespmem:s30], [sflag:$0x4], $0x80, $0x38;
	[tilespmem:$0x16C00] =	vst v63  }
0x12b: {  	s26 =	simm.s32 $0x12AA8;
	s29 =	sadd.s32 $0x50, s24;
	s30 =	simm.s32 $0x12B30  }
0x12c: {  	[hbm4b:s29+s3] =	stream.linear.scatter [tilespmem:s26], [sflag:$0x4], $0x80, $0x38;
	[tilespmem:$0x16C00] =	vst v63  }
0x12d: {  	s31 =	sadd.s32 $0x60, s24;
	s24 =	sadd.s32 $0x1000, s24;
	s26 =	simm.s32 $0x12BB8  }
0x12e: {  	[hbm4b:s31+s3] =	stream.linear.scatter [tilespmem:s30], [sflag:$0x4], $0x80, $0x38;
	[tilespmem:$0x16C00] =	vst v63  }
.LBB2_9:
0x12f: {  	[hbm4b:s28+s3] =	stream.linear.scatter [tilespmem:s26], [sflag:$0x4], $0x80, $0x38;
	[tilespmem:$0x16C00] =	vst v63  }
0x130: {  	s26 =	smov.u32 s23;
	s23 =	smov.u32 s25  }
0x131: {  	s29 =	sadd.s32 $0x1100, s25;
	s23 =	sshra.s32 s23, $0x2;
	s28 =	sadd.s32 $0x12800, s26  }
0x132: {  	[hbm4b:s24+s3] =	stream.linear.scatter [tilespmem:s28], [sflag:$0x4], $0x80, $0x38;
	[tilespmem:$0x16C00] =	vst v63  }
0x133: {  	p0 =	sne.s32 s25, $0xFF00;
	s25 =	sadd.s32 $0x12888, s26;
	s28 =	sadd.s32 $0x10, s24  }
0x134: {  	[hbm4b:s28+s3] =	stream.linear.scatter [tilespmem:s25], [sflag:$0x4], $0x80, $0x38;
	[tilespmem:$0x16C00] =	vst v63  }
0x135: {  	s25 =	sadd.s32 $0x12910, s26;
	s28 =	sadd.s32 $0x20, s24  }
0x136: {  	[hbm4b:s28+s3] =	stream.linear.scatter [tilespmem:s25], [sflag:$0x4], $0x80, $0x38;
	[tilespmem:$0x16C00] =	vst v63  }
0x137: {  	s25 =	sadd.s32 $0x12998, s26;
	s28 =	sadd.s32 $0x30, s24  }
0x138: {  	[hbm4b:s28+s3] =	stream.linear.scatter [tilespmem:s25], [sflag:$0x4], $0x80, $0x38;
	[tilespmem:$0x16C00] =	vst v63  }
0x139: {  	s25 =	sadd.s32 $0x12A20, s26;
	s28 =	sadd.s32 $0x40, s24  }
0x13a: {  	[hbm4b:s28+s3] =	stream.linear.scatter [tilespmem:s25], [sflag:$0x4], $0x80, $0x38;
	[tilespmem:$0x16C00] =	vst v63  }
.Ltmp3:
0x13b: {  	s25 =	sadd.s32 $0x12AA8, s26;
	s28 =	sadd.s32 $0x50, s24;
	(pc) =	sbr.rel @p0 .LBB2_9-.Ltmp3, $4  }
0x13c: {  	[hbm4b:s28+s3] =	stream.linear.scatter [tilespmem:s25], [sflag:$0x4], $0x80, $0x38;
	[tilespmem:$0x16C00] =	vst v63  }
0x13d: {  	s25 =	sadd.s32 $0x12B30, s26;
	s28 =	sadd.s32 $0x60, s24;
	s26 =	sadd.s32 $0x12BB8, s26  }
0x13e: {  	[hbm4b:s28+s3] =	stream.linear.scatter [tilespmem:s25], [sflag:$0x4], $0x80, $0x38;
	[tilespmem:$0x16C00] =	vst v63  }
0x13f: {  	s28 =	sadd.s32 $0x70, s24;
	s24 =	sadd.s32 $0x1000, s24;
	s25 =	smov.u32 s29  }
0x140: {  	[hbm4b:s28+s3] =	stream.linear.scatter [tilespmem:s26], [sflag:$0x4], $0x80, $0x38;
	[tilespmem:$0x16C00] =	vst v63  }
0x141: {  	s25 =	sadd.s32 $0x12800, s23  }
0x142: {  	[hbm4b:s24+s3] =	stream.linear.scatter [tilespmem:s25], [sflag:$0x4], $0x80, $0x38;
	[tilespmem:$0x16C00] =	vst v63  }
0x143: {  	s30 =	sadd.s32 $0x12888, s23;
	s31 =	sadd.s32 $0x10, s24  }
0x144: {  	[hbm4b:s31+s3] =	stream.linear.scatter [tilespmem:s30], [sflag:$0x4], $0x80, $0x38;
	[tilespmem:$0x16C00] =	vst v63  }
0x145: {  	s28 =	sadd.s32 $0x12910, s23;
	s29 =	sadd.s32 $0x20, s24  }
0x146: {  	[hbm4b:s29+s3] =	stream.linear.scatter [tilespmem:s28], [sflag:$0x4], $0x80, $0x38;
	[tilespmem:$0x16C00] =	vst v63  }
0x147: {  	s30 =	sadd.s32 $0x12998, s23;
	s31 =	sadd.s32 $0x30, s24  }
0x148: {  	[hbm4b:s31+s3] =	stream.linear.scatter [tilespmem:s30], [sflag:$0x4], $0x80, $0x38;
	[tilespmem:$0x16C00] =	vst v63  }
0x149: {  	s22 =	sadd.s32 $0x1, s22;
	s28 =	sadd.s32 $0x12A20, s23;
	s29 =	sadd.s32 $0x40, s24  }
0x14a: {  	[hbm4b:s29+s3] =	stream.linear.scatter [tilespmem:s28], [sflag:$0x4], $0x80, $0x38;
	[tilespmem:$0x16C00] =	vst v63  }
0x14b: {  	p0 =	sne.s32 s22, $0x32;
	s30 =	sadd.s32 $0x12AA8, s23;
	s31 =	sadd.s32 $0x50, s24  }
0x14c: {  	[hbm4b:s31+s3] =	stream.linear.scatter [tilespmem:s30], [sflag:$0x4], $0x80, $0x38;
	[tilespmem:$0x16C00] =	vst v63  }
.Ltmp4:
0x14d: {  	_ = 	snop;
	(pc) =	sbr.rel @p0 .LBB2_2-.Ltmp4, $4  }
0x14e: {  	s28 =	sadd.s32 $0x12B30, s23;
	s29 =	sadd.s32 $0x60, s24  }
0x14f: {  	[hbm4b:s29+s3] =	stream.linear.scatter [tilespmem:s28], [sflag:$0x4], $0x80, $0x38;
	[tilespmem:$0x16C00] =	vst v63  }
0x150: {  	s30 =	sadd.s32 $0x12BB8, s23;
	s31 =	sadd.s32 $0x70, s24  }
0x151: {  	[hbm4b:s31+s3] =	stream.linear.scatter [tilespmem:s30], [sflag:$0x4], $0x80, $0x38;
	[tilespmem:$0x16C00] =	vst v63  }
0x152: {  	s21 =	sadd.s32 $0x1, s21  }
0x153: {  	_ =	swait.ge [sflag:s19], $0x4000;
	p0 =	sne.s32 s21, s7  }
.Ltmp5:
0x154: {  	[sflag:s19] =	ssyncset.done $0x0;
	(pc) =	sbr.rel @p0 .LBB2_1-.Ltmp5, $4  }
0x155: {  	[sflag:s19] =	ssyncadd.s32 $0xFFFFC000  }
0x156: {  	_ =	swait.ge [sflag:s20], $0x4000  }
0x157: {  	[sflag:s20] =	ssyncset.done $0x0  }
0x158: {  	[sflag:s20] =	ssyncadd.s32 $0xFFFFC000  }
0x159: {  	_ =	sfence.sel $0x180000  }
0x15a: {  	[bflag:$0x0] =	sbarrier.arrive $0xFFFF  }
0x15b: {  	p0 =	sne.s32 s1, $0x0;
	_ =	strace $0x90000047  }
0x15c: {  	s0 =	sadd.s32 @!p0 $0x100000, s0;
	[bflag:$0x2] =	sbarrier.arrive $0xFFFF  }
0x15d: {  	[sflag:s0] =	ssyncadd.tile.s32 @!p0 $0x1;
	_ =	shalt  }
.Lfunc_end2:
_tile_overlayer_lowered:
.L_overlay_start_2:
0x15e: {  	(tag) =	ssettag $0x2  }
0x15f: {  	s0 =	rddreg [dreg:$0x0];
	s2 =	stileid.u32  }
0x160: {  	s1 =	rddreg [dreg:$0x1];
	p0 =	sne.s32 s2, $0x0  }
0x161: {  	s3 =	rddreg [dreg:$0x2];
	[bflag:$0x3] =	sbarrier.arrive $0xFFFF;
	s2 =	simm.s32 @!p0 $0x1C05  }
0x162: {  	[timem:s3], [sflag:s2] =	dma.local @!p0 [hbm:s0], s1  }
0x163: {  	s0 =	simm.s32 @!p0 $0x5  }
0x164: {  	_ =	swait.ge @!p0 [sflag:s0], s1  }
0x165: {  	s1 =	ssub.s32 @!p0 $0x0, s1;
	[sflag:s0] =	ssyncset.done @!p0 $0x0  }
0x166: {  	[sflag:s0] =	ssyncadd.s32 @!p0 s1  }
0x167: {  	[bflag:$0x3] =	sbarrier.arrive $0xFFFF  }
0x168: {  	_ =	shalt  }

</sc_bundles>
